<compile_context>
chip_gen: v7x
topology: tpu7x:2x2x1
jax: 0.10.2.dev20260603
libtpu: 0.0.44.dev20260713+nightly
codegen_flags: <defaults>
</compile_context>

<pallas_src>
import functools

import jax
import jax.numpy as jnp
from jax import lax
from jax.experimental import pallas as pl
from jax.experimental.pallas import tpu as pltpu
from jax.experimental.pallas import tpu_sc as plsc


def _matmul_table(h_paper, h_conf_pad):
    m, d = h_paper.shape
    c, _ = h_conf_pad.shape
    npair = c // 256

    def body(a_ref, b_ref, o_ref):
        a = a_ref[...]
        r1 = lax.dot_general(a, b_ref[:128], (((1,), (1,)), ((), ())),
                             preferred_element_type=jnp.float32)
        r2 = lax.dot_general(a, b_ref[128:], (((1,), (1,)), ((), ())),
                             preferred_element_type=jnp.float32)
        b1 = lax.bitcast_convert_type(r1, jnp.uint32)
        b2 = lax.bitcast_convert_type(r2, jnp.uint32)
        lo = (b1 + jnp.uint32(0x8000)) >> 16
        hi = (b2 + jnp.uint32(0x8000)) & jnp.uint32(0xFFFF0000)
        o_ref[...] = lax.bitcast_convert_type(lo | hi, jnp.int32)[None]

    return pl.pallas_call(
        body,
        grid=(npair,),
        in_specs=[
            pl.BlockSpec((m, d), lambda j: (0, 0)),
            pl.BlockSpec((256, d), lambda j: (j, 0)),
        ],
        out_specs=pl.BlockSpec((1, m, 128), lambda j: (j, 0, 0)),
        out_shape=jax.ShapeDtypeStruct((npair, m, 128), jnp.int32),
    )(h_paper, h_conf_pad)


def _gather_scores(q_flat, src_idx, dst_idx, n_rows):
    e = src_idx.shape[0]
    plane = n_rows * 128
    nw = 32
    ch = 128
    nch_total = e // ch
    nch_lo = nch_total // nw
    extra = nch_total - nch_lo * nw
    nch_hi = nch_lo + 1
    cap = nch_hi * ch
    mesh = plsc.VectorSubcoreMesh(core_axis_name="c", subcore_axis_name="s")

    @functools.partial(
        pl.kernel,
        mesh=mesh,
        out_type=jax.ShapeDtypeStruct((1, e), jnp.float32),
        scratch_types=[
            pltpu.VMEM((cap,), jnp.int32),
            pltpu.VMEM((cap,), jnp.int32),
            pltpu.VMEM((nch_hi, ch), jnp.int32),
            pltpu.VMEM((cap,), jnp.int32),
            pltpu.VMEM((cap,), jnp.float32),
            pltpu.SemaphoreType.DMA,
        ],
    )
    def k(q_hbm, src_hbm, dst_hbm, out_hbm,
          src_v, dst_v, idx_v, w_v, f_v, sem):
        wid = lax.axis_index("s") * 2 + lax.axis_index("c")
        nch = jnp.where(wid < extra, nch_hi, nch_lo)
        base = (wid * nch_lo + jnp.minimum(wid, extra)) * ch
        pltpu.sync_copy(src_hbm.at[pl.ds(base, nch_lo * ch)],
                        src_v.at[pl.ds(0, nch_lo * ch)])
        pltpu.sync_copy(dst_hbm.at[pl.ds(base, nch_lo * ch)],
                        dst_v.at[pl.ds(0, nch_lo * ch)])

        @pl.when(wid < extra)
        def _():
            pltpu.sync_copy(src_hbm.at[pl.ds(base + nch_lo * ch, ch)],
                            src_v.at[pl.ds(nch_lo * ch, ch)])
            pltpu.sync_copy(dst_hbm.at[pl.ds(base + nch_lo * ch, ch)],
                            dst_v.at[pl.ds(nch_lo * ch, ch)])

        def chunk(j, carry):
            for kk in range(ch // 16):
                off = j * ch + kk * 16
                s = src_v[pl.ds(off, 16)]
                t = dst_v[pl.ds(off, 16)]
                idx_v[j, pl.ds(kk * 16, 16)] = (
                    (t >> 8) * plane + s * 128 + (t & 127)
                )
            pltpu.async_copy(
                q_hbm.at[idx_v.at[j]], w_v.at[pl.ds(j * ch, ch)], sem
            )
            return carry

        lax.fori_loop(0, nch, chunk, 0)

        pltpu.make_async_copy(
            src_hbm.at[pl.ds(base, nch_lo * ch)],
            w_v.at[pl.ds(0, nch_lo * ch)], sem
        ).wait()

        @pl.when(wid < extra)
        def _():
            pltpu.make_async_copy(
                src_hbm.at[pl.ds(base, ch)], w_v.at[pl.ds(0, ch)], sem
            ).wait()

        def expand(j, carry):
            for kk in range(ch // 16):
                off = j * ch + kk * 16
                w = w_v[pl.ds(off, 16)]
                t = dst_v[pl.ds(off, 16)]
                odd = (t & 128) != 0
                bits = jnp.where(odd, w & jnp.int32(-65536), w << 16)
                f_v[pl.ds(off, 16)] = lax.bitcast_convert_type(
                    bits, jnp.float32)
            return carry

        lax.fori_loop(0, nch, expand, 0)
        pltpu.sync_copy(f_v.at[pl.ds(0, nch_lo * ch)],
                        out_hbm.at[0, pl.ds(base, nch_lo * ch)])

        @pl.when(wid < extra)
        def _():
            pltpu.sync_copy(f_v.at[pl.ds(nch_lo * ch, ch)],
                            out_hbm.at[0, pl.ds(base + nch_lo * ch, ch)])

    return k(q_flat, src_idx, dst_idx)


def kernel(h_paper, h_conf, src_idx, dst_idx):
    n_conf, d = h_conf.shape
    c_pad = 1024
    h_conf_pad = jnp.pad(h_conf, ((0, c_pad - n_conf), (0, 0)))
    q = _matmul_table(h_paper, h_conf_pad)
    out = _gather_scores(q.reshape(-1), src_idx, dst_idx, h_paper.shape[0])
    return out.reshape(-1, 1)

# --- scband reference (transcript-rebuilt; emitter-appended) ---
"""Pipeline reference for scband-hetero-dot-product-predictor-15994458210537 (READ-ONLY COPY).

The authoritative reference and input builder live on the scoring server;
editing this copy changes nothing except your own understanding.
"""

import jax, jax.numpy as jnp
import numpy as np

N_PAPER = 10000
N_CONF = 1000
N_EDGES = 320000
D_FEAT = 128


def setup_inputs(seed: int = 0) -> dict:
    key = jax.random.key(seed)
    k1, k2, k3, k4 = jax.random.split(key, 4)
    h_paper = jax.random.normal(k1, (N_PAPER, D_FEAT), dtype=jnp.float32)
    h_conf = jax.random.normal(k2, (N_CONF, D_FEAT), dtype=jnp.float32)
    src_idx = jax.random.randint(k3, (N_EDGES,), 0, N_PAPER, dtype=jnp.int64 if jax.config.jax_enable_x64 else jnp.int32).astype(jnp.int32)
    dst_idx = jax.random.randint(k4, (N_EDGES,), 0, N_CONF, dtype=jnp.int64 if jax.config.jax_enable_x64 else jnp.int32).astype(jnp.int32)
    return {"h_paper": h_paper, "h_conf": h_conf, "src_idx": src_idx, "dst_idx": dst_idx}


def reference(h_paper, h_conf, src_idx, dst_idx):
    # DGL fn.u_dot_v('h','h','score') on etype ('paper','publish-on','conference'):
    # for each edge e=(u,v): score[e] = <h_paper[u], h_conf[v]>, shape [E, 1]
    hu = jnp.take(h_paper, src_idx, axis=0)  # [E, d] gather
    hv = jnp.take(h_conf, dst_idx, axis=0)   # [E, d] gather
    score = jnp.sum(hu * hv, axis=-1, keepdims=True)  # [E, 1]
    return score

if __name__ == "__main__":
    import jax
    _d = setup_inputs()
    print(jax.jit(kernel)(*tuple(_d.values())))

</pallas_src>

<mosaic_0001>
#map = affine_map<(d0, d1) -> (0)>
#map1 = affine_map<(d0, d1) -> (0, 0)>
module attributes {stable_mosaic.version = 14 : i64} {
  func.func @k(%arg0: i32, %arg1: i32, %arg2: memref<5120000xi32, #tpu.memory_space<hbm>>, %arg3: memref<320000xi32, #tpu.memory_space<hbm>>, %arg4: memref<320000xi32, #tpu.memory_space<hbm>>, %arg5: memref<1x320000xf32, #tpu.memory_space<hbm>>, %arg6: memref<10112xi32, #tpu.memory_space<vmem>>, %arg7: memref<10112xi32, #tpu.memory_space<vmem>>, %arg8: memref<79x128xi32, #tpu.memory_space<vmem>>, %arg9: memref<10112xi32, #tpu.memory_space<vmem>>, %arg10: memref<10112xf32, #tpu.memory_space<vmem>>, %arg11: memref<!tpu.dma_semaphore, #tpu.memory_space<semaphore_mem>>) attributes {dimension_semantics = [#tpu.dimension_semantics<core_parallel>, #tpu.dimension_semantics<subcore_parallel>], iteration_bounds = array<i64: 2, 16>, scalar_prefetch = 0 : i64, scratch_operands = 6 : i64, tpu.core_type = #tpu.core_type<sc_vector_subcore>, window_params = [{transform_indices = #map}, {transform_indices = #map}, {transform_indices = #map}, {transform_indices = #map1}]} {
    %mul3A = arith.constant 2 : i32
    %mul3A_0 = arith.muli %arg1, %mul3A : i32
    %add3A = arith.addi %mul3A_0, %arg0 : i32
    %lt3A = arith.constant 4 : i32
    %lt3A_1 = arith.cmpi slt, %add3A, %lt3A : i32
    %jit3A = arith.constant 79 : i32
    %jit3A_2 = arith.constant 78 : i32
    %select_n3A = arith.select %lt3A_1, %jit3A, %jit3A_2 : i32
    %mul3A_3 = arith.constant 78 : i32
    %mul3A_4 = arith.muli %add3A, %mul3A_3 : i32
    %min3A = arith.constant 4 : i32
    %min3A_5 = arith.minsi %add3A, %min3A : i32
    %add3A_6 = arith.addi %mul3A_4, %min3A_5 : i32
    %mul3A_7 = arith.constant 128 : i32
    %mul3A_8 = arith.muli %add3A_6, %mul3A_7 : i32
    "tpu.region"() ({
      %run_scoped3A_46 = tpu.sem_alloc : memref<!tpu.dma_semaphore, #tpu.memory_space<semaphore_mem>>
      %dma_start3A = arith.constant 0 : i32
      %dma_start3A_47 = tpu.memref_slice %arg6[%dma_start3A] : memref<10112xi32, #tpu.memory_space<vmem>> -> memref<9984xi32, #tpu.memory_space<vmem>>
      %dma_start3A_48 = tpu.memref_slice %arg3[%mul3A_8] : memref<320000xi32, #tpu.memory_space<hbm>> -> memref<9984xi32, #tpu.memory_space<hbm>>
      %dma_start3A_49 = arith.constant 0 : i32
      %dma_start3A_50 = tpu.memref_slice %arg6[%dma_start3A_49] : memref<10112xi32, #tpu.memory_space<vmem>> -> memref<9984xi32, #tpu.memory_space<vmem>>
      %dma_start3A_51 = tpu.memref_slice %arg3[%mul3A_8] : memref<320000xi32, #tpu.memory_space<hbm>> -> memref<9984xi32, #tpu.memory_space<hbm>>
      tpu.enqueue_dma source(%dma_start3A_51 : memref<9984xi32, #tpu.memory_space<hbm>>) target(%dma_start3A_50 : memref<9984xi32, #tpu.memory_space<vmem>>) target_semaphore(%run_scoped3A_46 : memref<!tpu.dma_semaphore, #tpu.memory_space<semaphore_mem>>)
      %dma_wait3A_52 = arith.constant 0 : i32
      %dma_wait3A_53 = tpu.memref_slice %arg6[%dma_wait3A_52] : memref<10112xi32, #tpu.memory_space<vmem>> -> memref<9984xi32, #tpu.memory_space<vmem>>
      %dma_wait3A_54 = tpu.memref_slice %arg3[%mul3A_8] : memref<320000xi32, #tpu.memory_space<hbm>> -> memref<9984xi32, #tpu.memory_space<hbm>>
      %dma_wait3A_55 = arith.constant 0 : i32
      %dma_wait3A_56 = tpu.memref_slice %arg6[%dma_wait3A_55] : memref<10112xi32, #tpu.memory_space<vmem>> -> memref<9984xi32, #tpu.memory_space<vmem>>
      %dma_wait3A_57 = tpu.memref_slice %arg3[%mul3A_8] : memref<320000xi32, #tpu.memory_space<hbm>> -> memref<9984xi32, #tpu.memory_space<hbm>>
      tpu.wait_dma2 semaphore(%run_scoped3A_46 : memref<!tpu.dma_semaphore, #tpu.memory_space<semaphore_mem>>) src(%dma_wait3A_57 : memref<9984xi32, #tpu.memory_space<hbm>>) dst(%dma_wait3A_56 : memref<9984xi32, #tpu.memory_space<vmem>>)
      tpu.yield
    }) : () -> ()
    "tpu.region"() ({
      %run_scoped3A_46 = tpu.sem_alloc : memref<!tpu.dma_semaphore, #tpu.memory_space<semaphore_mem>>
      %dma_start3A = arith.constant 0 : i32
      %dma_start3A_47 = tpu.memref_slice %arg7[%dma_start3A] : memref<10112xi32, #tpu.memory_space<vmem>> -> memref<9984xi32, #tpu.memory_space<vmem>>
      %dma_start3A_48 = tpu.memref_slice %arg4[%mul3A_8] : memref<320000xi32, #tpu.memory_space<hbm>> -> memref<9984xi32, #tpu.memory_space<hbm>>
      %dma_start3A_49 = arith.constant 0 : i32
      %dma_start3A_50 = tpu.memref_slice %arg7[%dma_start3A_49] : memref<10112xi32, #tpu.memory_space<vmem>> -> memref<9984xi32, #tpu.memory_space<vmem>>
      %dma_start3A_51 = tpu.memref_slice %arg4[%mul3A_8] : memref<320000xi32, #tpu.memory_space<hbm>> -> memref<9984xi32, #tpu.memory_space<hbm>>
      tpu.enqueue_dma source(%dma_start3A_51 : memref<9984xi32, #tpu.memory_space<hbm>>) target(%dma_start3A_50 : memref<9984xi32, #tpu.memory_space<vmem>>) target_semaphore(%run_scoped3A_46 : memref<!tpu.dma_semaphore, #tpu.memory_space<semaphore_mem>>)
      %dma_wait3A_52 = arith.constant 0 : i32
      %dma_wait3A_53 = tpu.memref_slice %arg7[%dma_wait3A_52] : memref<10112xi32, #tpu.memory_space<vmem>> -> memref<9984xi32, #tpu.memory_space<vmem>>
      %dma_wait3A_54 = tpu.memref_slice %arg4[%mul3A_8] : memref<320000xi32, #tpu.memory_space<hbm>> -> memref<9984xi32, #tpu.memory_space<hbm>>
      %dma_wait3A_55 = arith.constant 0 : i32
      %dma_wait3A_56 = tpu.memref_slice %arg7[%dma_wait3A_55] : memref<10112xi32, #tpu.memory_space<vmem>> -> memref<9984xi32, #tpu.memory_space<vmem>>
      %dma_wait3A_57 = tpu.memref_slice %arg4[%mul3A_8] : memref<320000xi32, #tpu.memory_space<hbm>> -> memref<9984xi32, #tpu.memory_space<hbm>>
      tpu.wait_dma2 semaphore(%run_scoped3A_46 : memref<!tpu.dma_semaphore, #tpu.memory_space<semaphore_mem>>) src(%dma_wait3A_57 : memref<9984xi32, #tpu.memory_space<hbm>>) dst(%dma_wait3A_56 : memref<9984xi32, #tpu.memory_space<vmem>>)
      tpu.yield
    }) : () -> ()
    %lt3A_9 = arith.constant 4 : i32
    %lt3A_10 = arith.cmpi slt, %add3A, %lt3A_9 : i32
    %convert_element_type3A = arith.extui %lt3A_10 : i1 to i32
    %cond3A = arith.constant 0 : i32
    %cond3A_11 = arith.cmpi ne, %convert_element_type3A, %cond3A : i32
    scf.if %cond3A_11 {
      %add3A_46 = arith.constant 9984 : i32
      %add3A_47 = arith.addi %mul3A_8, %add3A_46 : i32
      "tpu.region"() ({
        %run_scoped3A_50 = tpu.sem_alloc : memref<!tpu.dma_semaphore, #tpu.memory_space<semaphore_mem>>
        %dma_start3A = arith.constant 9984 : i32
        %dma_start3A_51 = tpu.memref_slice %arg6[%dma_start3A] : memref<10112xi32, #tpu.memory_space<vmem>> -> memref<128xi32, #tpu.memory_space<vmem>>
        %dma_start3A_52 = tpu.memref_slice %arg3[%add3A_47] : memref<320000xi32, #tpu.memory_space<hbm>> -> memref<128xi32, #tpu.memory_space<hbm>>
        %dma_start3A_53 = arith.constant 9984 : i32
        %dma_start3A_54 = tpu.memref_slice %arg6[%dma_start3A_53] : memref<10112xi32, #tpu.memory_space<vmem>> -> memref<128xi32, #tpu.memory_space<vmem>>
        %dma_start3A_55 = tpu.memref_slice %arg3[%add3A_47] : memref<320000xi32, #tpu.memory_space<hbm>> -> memref<128xi32, #tpu.memory_space<hbm>>
        tpu.enqueue_dma source(%dma_start3A_55 : memref<128xi32, #tpu.memory_space<hbm>>) target(%dma_start3A_54 : memref<128xi32, #tpu.memory_space<vmem>>) target_semaphore(%run_scoped3A_50 : memref<!tpu.dma_semaphore, #tpu.memory_space<semaphore_mem>>)
        %dma_wait3A_56 = arith.constant 9984 : i32
        %dma_wait3A_57 = tpu.memref_slice %arg6[%dma_wait3A_56] : memref<10112xi32, #tpu.memory_space<vmem>> -> memref<128xi32, #tpu.memory_space<vmem>>
        %dma_wait3A_58 = tpu.memref_slice %arg3[%add3A_47] : memref<320000xi32, #tpu.memory_space<hbm>> -> memref<128xi32, #tpu.memory_space<hbm>>
        %dma_wait3A_59 = arith.constant 9984 : i32
        %dma_wait3A_60 = tpu.memref_slice %arg6[%dma_wait3A_59] : memref<10112xi32, #tpu.memory_space<vmem>> -> memref<128xi32, #tpu.memory_space<vmem>>
        %dma_wait3A_61 = tpu.memref_slice %arg3[%add3A_47] : memref<320000xi32, #tpu.memory_space<hbm>> -> memref<128xi32, #tpu.memory_space<hbm>>
        tpu.wait_dma2 semaphore(%run_scoped3A_50 : memref<!tpu.dma_semaphore, #tpu.memory_space<semaphore_mem>>) src(%dma_wait3A_61 : memref<128xi32, #tpu.memory_space<hbm>>) dst(%dma_wait3A_60 : memref<128xi32, #tpu.memory_space<vmem>>)
        tpu.yield
      }) : () -> ()
      %add3A_48 = arith.constant 9984 : i32
      %add3A_49 = arith.addi %mul3A_8, %add3A_48 : i32
      "tpu.region"() ({
        %run_scoped3A_50 = tpu.sem_alloc : memref<!tpu.dma_semaphore, #tpu.memory_space<semaphore_mem>>
        %dma_start3A = arith.constant 9984 : i32
        %dma_start3A_51 = tpu.memref_slice %arg7[%dma_start3A] : memref<10112xi32, #tpu.memory_space<vmem>> -> memref<128xi32, #tpu.memory_space<vmem>>
        %dma_start3A_52 = tpu.memref_slice %arg4[%add3A_49] : memref<320000xi32, #tpu.memory_space<hbm>> -> memref<128xi32, #tpu.memory_space<hbm>>
        %dma_start3A_53 = arith.constant 9984 : i32
        %dma_start3A_54 = tpu.memref_slice %arg7[%dma_start3A_53] : memref<10112xi32, #tpu.memory_space<vmem>> -> memref<128xi32, #tpu.memory_space<vmem>>
        %dma_start3A_55 = tpu.memref_slice %arg4[%add3A_49] : memref<320000xi32, #tpu.memory_space<hbm>> -> memref<128xi32, #tpu.memory_space<hbm>>
        tpu.enqueue_dma source(%dma_start3A_55 : memref<128xi32, #tpu.memory_space<hbm>>) target(%dma_start3A_54 : memref<128xi32, #tpu.memory_space<vmem>>) target_semaphore(%run_scoped3A_50 : memref<!tpu.dma_semaphore, #tpu.memory_space<semaphore_mem>>)
        %dma_wait3A_56 = arith.constant 9984 : i32
        %dma_wait3A_57 = tpu.memref_slice %arg7[%dma_wait3A_56] : memref<10112xi32, #tpu.memory_space<vmem>> -> memref<128xi32, #tpu.memory_space<vmem>>
        %dma_wait3A_58 = tpu.memref_slice %arg4[%add3A_49] : memref<320000xi32, #tpu.memory_space<hbm>> -> memref<128xi32, #tpu.memory_space<hbm>>
        %dma_wait3A_59 = arith.constant 9984 : i32
        %dma_wait3A_60 = tpu.memref_slice %arg7[%dma_wait3A_59] : memref<10112xi32, #tpu.memory_space<vmem>> -> memref<128xi32, #tpu.memory_space<vmem>>
        %dma_wait3A_61 = tpu.memref_slice %arg4[%add3A_49] : memref<320000xi32, #tpu.memory_space<hbm>> -> memref<128xi32, #tpu.memory_space<hbm>>
        tpu.wait_dma2 semaphore(%run_scoped3A_50 : memref<!tpu.dma_semaphore, #tpu.memory_space<semaphore_mem>>) src(%dma_wait3A_61 : memref<128xi32, #tpu.memory_space<hbm>>) dst(%dma_wait3A_60 : memref<128xi32, #tpu.memory_space<vmem>>)
        tpu.yield
      }) : () -> ()
    } else {
    }
    %while3A = arith.constant 0 : i32
    %while3A_12 = arith.constant 0 : i32
    %while3A_13 = arith.subi %select_n3A, %while3A_12 : i32
    %while3A_14 = arith.addi %while3A_12, %while3A_13 : i32
    %while3A_15 = arith.constant 1 : i32
    %while3A_16 = arith.divsi %while3A_13, %while3A_15 : i32
    %while3A_17 = arith.muli %while3A_16, %while3A_15 : i32
    %while3A_18 = arith.addi %while3A_12, %while3A_17 : i32
    %while3A_19 = arith.constant 1 : i32
    scf.for %while3A_46 = %while3A_12 to %while3A_18 step %while3A_19  : i32 {
      %mul3A_47 = arith.constant 128 : i32
      %mul3A_48 = arith.muli %while3A_46, %mul3A_47 : i32
      %add3A_49 = arith.constant 0 : i32
      %add3A_50 = arith.addi %mul3A_48, %add3A_49 : i32
      %get3A = arith.index_cast %add3A_50 : i32 to index
      %get3A_51 = tpu.vector_load %arg6[%get3A] {strides = array<i32>} : memref<10112xi32, #tpu.memory_space<vmem>>, vector<16xi32>,
      %get3A_52 = vector.shape_cast %get3A_51 : vector<16xi32> to vector<16xi32>
      %get3A_53 = arith.index_cast %add3A_50 : i32 to index
      %get3A_54 = tpu.vector_load %arg7[%get3A_53] {strides = array<i32>} : memref<10112xi32, #tpu.memory_space<vmem>>, vector<16xi32>,
      %get3A_55 = vector.shape_cast %get3A_54 : vector<16xi32> to vector<16xi32>
      %shift_right_arithmetic3A = arith.constant 8 : i32
      %shift_right_arithmetic3A_56 = vector.broadcast %shift_right_arithmetic3A : i32 to vector<16xi32>
      %shift_right_arithmetic3A_57 = arith.shrsi %get3A_55, %shift_right_arithmetic3A_56 : vector<16xi32>
      %mul3A_58 = arith.constant 1280000 : i32
      %mul3A_59 = vector.broadcast %mul3A_58 : i32 to vector<16xi32>
      %mul3A_60 = arith.muli %shift_right_arithmetic3A_57, %mul3A_59 : vector<16xi32>
      %mul3A_61 = arith.constant 128 : i32
      %mul3A_62 = vector.broadcast %mul3A_61 : i32 to vector<16xi32>
      %mul3A_63 = arith.muli %get3A_52, %mul3A_62 : vector<16xi32>
      %add3A_64 = arith.addi %mul3A_60, %mul3A_63 : vector<16xi32>
      %and3A = arith.constant 127 : i32
      %and3A_65 = vector.broadcast %and3A : i32 to vector<16xi32>
      %and3A_66 = arith.andi %get3A_55, %and3A_65 : vector<16xi32>
      %add3A_67 = arith.addi %add3A_64, %and3A_66 : vector<16xi32>
      %swap3A = arith.index_cast %while3A_46 : i32 to index
      %swap3A_68 = arith.constant 0 : index
      %swap3A_69 = tpu.vector_load %arg8[%swap3A, %swap3A_68] {strides = array<i32>} : memref<79x128xi32, #tpu.memory_space<vmem>>, vector<1x16xi32>,
      %swap3A_70 = vector.shape_cast %swap3A_69 : vector<1x16xi32> to vector<16xi32>
      %swap3A_71 = vector.shape_cast %add3A_67 : vector<16xi32> to vector<1x16xi32>
      tpu.vector_store %arg8[%swap3A, %swap3A_68], %swap3A_71 {strides = array<i32>} : memref<79x128xi32, #tpu.memory_space<vmem>>, vector<1x16xi32>,
      %mul3A_72 = arith.constant 128 : i32
      %mul3A_73 = arith.muli %while3A_46, %mul3A_72 : i32
      %add3A_74 = arith.constant 16 : i32
      %add3A_75 = arith.addi %mul3A_73, %add3A_74 : i32
      %get3A_76 = arith.index_cast %add3A_75 : i32 to index
      %get3A_77 = tpu.vector_load %arg6[%get3A_76] {strides = array<i32>} : memref<10112xi32, #tpu.memory_space<vmem>>, vector<16xi32>,
      %get3A_78 = vector.shape_cast %get3A_77 : vector<16xi32> to vector<16xi32>
      %get3A_79 = arith.index_cast %add3A_75 : i32 to index
      %get3A_80 = tpu.vector_load %arg7[%get3A_79] {strides = array<i32>} : memref<10112xi32, #tpu.memory_space<vmem>>, vector<16xi32>,
      %get3A_81 = vector.shape_cast %get3A_80 : vector<16xi32> to vector<16xi32>
      %shift_right_arithmetic3A_82 = arith.constant 8 : i32
      %shift_right_arithmetic3A_83 = vector.broadcast %shift_right_arithmetic3A_82 : i32 to vector<16xi32>
      %shift_right_arithmetic3A_84 = arith.shrsi %get3A_81, %shift_right_arithmetic3A_83 : vector<16xi32>
      %mul3A_85 = arith.constant 1280000 : i32
      %mul3A_86 = vector.broadcast %mul3A_85 : i32 to vector<16xi32>
      %mul3A_87 = arith.muli %shift_right_arithmetic3A_84, %mul3A_86 : vector<16xi32>
      %mul3A_88 = arith.constant 128 : i32
      %mul3A_89 = vector.broadcast %mul3A_88 : i32 to vector<16xi32>
      %mul3A_90 = arith.muli %get3A_78, %mul3A_89 : vector<16xi32>
      %add3A_91 = arith.addi %mul3A_87, %mul3A_90 : vector<16xi32>
      %and3A_92 = arith.constant 127 : i32
      %and3A_93 = vector.broadcast %and3A_92 : i32 to vector<16xi32>
      %and3A_94 = arith.andi %get3A_81, %and3A_93 : vector<16xi32>
      %add3A_95 = arith.addi %add3A_91, %and3A_94 : vector<16xi32>
      %swap3A_96 = arith.index_cast %while3A_46 : i32 to index
      %swap3A_97 = arith.constant 16 : index
      %swap3A_98 = tpu.vector_load %arg8[%swap3A_96, %swap3A_97] {strides = array<i32>} : memref<79x128xi32, #tpu.memory_space<vmem>>, vector<1x16xi32>,
      %swap3A_99 = vector.shape_cast %swap3A_98 : vector<1x16xi32> to vector<16xi32>
      %swap3A_100 = vector.shape_cast %add3A_95 : vector<16xi32> to vector<1x16xi32>
      tpu.vector_store %arg8[%swap3A_96, %swap3A_97], %swap3A_100 {strides = array<i32>} : memref<79x128xi32, #tpu.memory_space<vmem>>, vector<1x16xi32>,
      %mul3A_101 = arith.constant 128 : i32
      %mul3A_102 = arith.muli %while3A_46, %mul3A_101 : i32
      %add3A_103 = arith.constant 32 : i32
      %add3A_104 = arith.addi %mul3A_102, %add3A_103 : i32
      %get3A_105 = arith.index_cast %add3A_104 : i32 to index
      %get3A_106 = tpu.vector_load %arg6[%get3A_105] {strides = array<i32>} : memref<10112xi32, #tpu.memory_space<vmem>>, vector<16xi32>,
      %get3A_107 = vector.shape_cast %get3A_106 : vector<16xi32> to vector<16xi32>
      %get3A_108 = arith.index_cast %add3A_104 : i32 to index
      %get3A_109 = tpu.vector_load %arg7[%get3A_108] {strides = array<i32>} : memref<10112xi32, #tpu.memory_space<vmem>>, vector<16xi32>,
      %get3A_110 = vector.shape_cast %get3A_109 : vector<16xi32> to vector<16xi32>
      %shift_right_arithmetic3A_111 = arith.constant 8 : i32
      %shift_right_arithmetic3A_112 = vector.broadcast %shift_right_arithmetic3A_111 : i32 to vector<16xi32>
      %shift_right_arithmetic3A_113 = arith.shrsi %get3A_110, %shift_right_arithmetic3A_112 : vector<16xi32>
      %mul3A_114 = arith.constant 1280000 : i32
      %mul3A_115 = vector.broadcast %mul3A_114 : i32 to vector<16xi32>
      %mul3A_116 = arith.muli %shift_right_arithmetic3A_113, %mul3A_115 : vector<16xi32>
      %mul3A_117 = arith.constant 128 : i32
      %mul3A_118 = vector.broadcast %mul3A_117 : i32 to vector<16xi32>
      %mul3A_119 = arith.muli %get3A_107, %mul3A_118 : vector<16xi32>
      %add3A_120 = arith.addi %mul3A_116, %mul3A_119 : vector<16xi32>
      %and3A_121 = arith.constant 127 : i32
      %and3A_122 = vector.broadcast %and3A_121 : i32 to vector<16xi32>
      %and3A_123 = arith.andi %get3A_110, %and3A_122 : vector<16xi32>
      %add3A_124 = arith.addi %add3A_120, %and3A_123 : vector<16xi32>
      %swap3A_125 = arith.index_cast %while3A_46 : i32 to index
      %swap3A_126 = arith.constant 32 : index
      %swap3A_127 = tpu.vector_load %arg8[%swap3A_125, %swap3A_126] {strides = array<i32>} : memref<79x128xi32, #tpu.memory_space<vmem>>, vector<1x16xi32>,
      %swap3A_128 = vector.shape_cast %swap3A_127 : vector<1x16xi32> to vector<16xi32>
      %swap3A_129 = vector.shape_cast %add3A_124 : vector<16xi32> to vector<1x16xi32>
      tpu.vector_store %arg8[%swap3A_125, %swap3A_126], %swap3A_129 {strides = array<i32>} : memref<79x128xi32, #tpu.memory_space<vmem>>, vector<1x16xi32>,
      %mul3A_130 = arith.constant 128 : i32
      %mul3A_131 = arith.muli %while3A_46, %mul3A_130 : i32
      %add3A_132 = arith.constant 48 : i32
      %add3A_133 = arith.addi %mul3A_131, %add3A_132 : i32
      %get3A_134 = arith.index_cast %add3A_133 : i32 to index
      %get3A_135 = tpu.vector_load %arg6[%get3A_134] {strides = array<i32>} : memref<10112xi32, #tpu.memory_space<vmem>>, vector<16xi32>,
      %get3A_136 = vector.shape_cast %get3A_135 : vector<16xi32> to vector<16xi32>
      %get3A_137 = arith.index_cast %add3A_133 : i32 to index
      %get3A_138 = tpu.vector_load %arg7[%get3A_137] {strides = array<i32>} : memref<10112xi32, #tpu.memory_space<vmem>>, vector<16xi32>,
      %get3A_139 = vector.shape_cast %get3A_138 : vector<16xi32> to vector<16xi32>
      %shift_right_arithmetic3A_140 = arith.constant 8 : i32
      %shift_right_arithmetic3A_141 = vector.broadcast %shift_right_arithmetic3A_140 : i32 to vector<16xi32>
      %shift_right_arithmetic3A_142 = arith.shrsi %get3A_139, %shift_right_arithmetic3A_141 : vector<16xi32>
      %mul3A_143 = arith.constant 1280000 : i32
      %mul3A_144 = vector.broadcast %mul3A_143 : i32 to vector<16xi32>
      %mul3A_145 = arith.muli %shift_right_arithmetic3A_142, %mul3A_144 : vector<16xi32>
      %mul3A_146 = arith.constant 128 : i32
      %mul3A_147 = vector.broadcast %mul3A_146 : i32 to vector<16xi32>
      %mul3A_148 = arith.muli %get3A_136, %mul3A_147 : vector<16xi32>
      %add3A_149 = arith.addi %mul3A_145, %mul3A_148 : vector<16xi32>
      %and3A_150 = arith.constant 127 : i32
      %and3A_151 = vector.broadcast %and3A_150 : i32 to vector<16xi32>
      %and3A_152 = arith.andi %get3A_139, %and3A_151 : vector<16xi32>
      %add3A_153 = arith.addi %add3A_149, %and3A_152 : vector<16xi32>
      %swap3A_154 = arith.index_cast %while3A_46 : i32 to index
      %swap3A_155 = arith.constant 48 : index
      %swap3A_156 = tpu.vector_load %arg8[%swap3A_154, %swap3A_155] {strides = array<i32>} : memref<79x128xi32, #tpu.memory_space<vmem>>, vector<1x16xi32>,
      %swap3A_157 = vector.shape_cast %swap3A_156 : vector<1x16xi32> to vector<16xi32>
      %swap3A_158 = vector.shape_cast %add3A_153 : vector<16xi32> to vector<1x16xi32>
      tpu.vector_store %arg8[%swap3A_154, %swap3A_155], %swap3A_158 {strides = array<i32>} : memref<79x128xi32, #tpu.memory_space<vmem>>, vector<1x16xi32>,
      %mul3A_159 = arith.constant 128 : i32
      %mul3A_160 = arith.muli %while3A_46, %mul3A_159 : i32
      %add3A_161 = arith.constant 64 : i32
      %add3A_162 = arith.addi %mul3A_160, %add3A_161 : i32
      %get3A_163 = arith.index_cast %add3A_162 : i32 to index
      %get3A_164 = tpu.vector_load %arg6[%get3A_163] {strides = array<i32>} : memref<10112xi32, #tpu.memory_space<vmem>>, vector<16xi32>,
      %get3A_165 = vector.shape_cast %get3A_164 : vector<16xi32> to vector<16xi32>
      %get3A_166 = arith.index_cast %add3A_162 : i32 to index
      %get3A_167 = tpu.vector_load %arg7[%get3A_166] {strides = array<i32>} : memref<10112xi32, #tpu.memory_space<vmem>>, vector<16xi32>,
      %get3A_168 = vector.shape_cast %get3A_167 : vector<16xi32> to vector<16xi32>
      %shift_right_arithmetic3A_169 = arith.constant 8 : i32
      %shift_right_arithmetic3A_170 = vector.broadcast %shift_right_arithmetic3A_169 : i32 to vector<16xi32>
      %shift_right_arithmetic3A_171 = arith.shrsi %get3A_168, %shift_right_arithmetic3A_170 : vector<16xi32>
      %mul3A_172 = arith.constant 1280000 : i32
      %mul3A_173 = vector.broadcast %mul3A_172 : i32 to vector<16xi32>
      %mul3A_174 = arith.muli %shift_right_arithmetic3A_171, %mul3A_173 : vector<16xi32>
      %mul3A_175 = arith.constant 128 : i32
      %mul3A_176 = vector.broadcast %mul3A_175 : i32 to vector<16xi32>
      %mul3A_177 = arith.muli %get3A_165, %mul3A_176 : vector<16xi32>
      %add3A_178 = arith.addi %mul3A_174, %mul3A_177 : vector<16xi32>
      %and3A_179 = arith.constant 127 : i32
      %and3A_180 = vector.broadcast %and3A_179 : i32 to vector<16xi32>
      %and3A_181 = arith.andi %get3A_168, %and3A_180 : vector<16xi32>
      %add3A_182 = arith.addi %add3A_178, %and3A_181 : vector<16xi32>
      %swap3A_183 = arith.index_cast %while3A_46 : i32 to index
      %swap3A_184 = arith.constant 64 : index
      %swap3A_185 = tpu.vector_load %arg8[%swap3A_183, %swap3A_184] {strides = array<i32>} : memref<79x128xi32, #tpu.memory_space<vmem>>, vector<1x16xi32>,
      %swap3A_186 = vector.shape_cast %swap3A_185 : vector<1x16xi32> to vector<16xi32>
      %swap3A_187 = vector.shape_cast %add3A_182 : vector<16xi32> to vector<1x16xi32>
      tpu.vector_store %arg8[%swap3A_183, %swap3A_184], %swap3A_187 {strides = array<i32>} : memref<79x128xi32, #tpu.memory_space<vmem>>, vector<1x16xi32>,
      %mul3A_188 = arith.constant 128 : i32
      %mul3A_189 = arith.muli %while3A_46, %mul3A_188 : i32
      %add3A_190 = arith.constant 80 : i32
      %add3A_191 = arith.addi %mul3A_189, %add3A_190 : i32
      %get3A_192 = arith.index_cast %add3A_191 : i32 to index
      %get3A_193 = tpu.vector_load %arg6[%get3A_192] {strides = array<i32>} : memref<10112xi32, #tpu.memory_space<vmem>>, vector<16xi32>,
      %get3A_194 = vector.shape_cast %get3A_193 : vector<16xi32> to vector<16xi32>
      %get3A_195 = arith.index_cast %add3A_191 : i32 to index
      %get3A_196 = tpu.vector_load %arg7[%get3A_195] {strides = array<i32>} : memref<10112xi32, #tpu.memory_space<vmem>>, vector<16xi32>,
      %get3A_197 = vector.shape_cast %get3A_196 : vector<16xi32> to vector<16xi32>
      %shift_right_arithmetic3A_198 = arith.constant 8 : i32
      %shift_right_arithmetic3A_199 = vector.broadcast %shift_right_arithmetic3A_198 : i32 to vector<16xi32>
      %shift_right_arithmetic3A_200 = arith.shrsi %get3A_197, %shift_right_arithmetic3A_199 : vector<16xi32>
      %mul3A_201 = arith.constant 1280000 : i32
      %mul3A_202 = vector.broadcast %mul3A_201 : i32 to vector<16xi32>
      %mul3A_203 = arith.muli %shift_right_arithmetic3A_200, %mul3A_202 : vector<16xi32>
      %mul3A_204 = arith.constant 128 : i32
      %mul3A_205 = vector.broadcast %mul3A_204 : i32 to vector<16xi32>
      %mul3A_206 = arith.muli %get3A_194, %mul3A_205 : vector<16xi32>
      %add3A_207 = arith.addi %mul3A_203, %mul3A_206 : vector<16xi32>
      %and3A_208 = arith.constant 127 : i32
      %and3A_209 = vector.broadcast %and3A_208 : i32 to vector<16xi32>
      %and3A_210 = arith.andi %get3A_197, %and3A_209 : vector<16xi32>
      %add3A_211 = arith.addi %add3A_207, %and3A_210 : vector<16xi32>
      %swap3A_212 = arith.index_cast %while3A_46 : i32 to index
      %swap3A_213 = arith.constant 80 : index
      %swap3A_214 = tpu.vector_load %arg8[%swap3A_212, %swap3A_213] {strides = array<i32>} : memref<79x128xi32, #tpu.memory_space<vmem>>, vector<1x16xi32>,
      %swap3A_215 = vector.shape_cast %swap3A_214 : vector<1x16xi32> to vector<16xi32>
      %swap3A_216 = vector.shape_cast %add3A_211 : vector<16xi32> to vector<1x16xi32>
      tpu.vector_store %arg8[%swap3A_212, %swap3A_213], %swap3A_216 {strides = array<i32>} : memref<79x128xi32, #tpu.memory_space<vmem>>, vector<1x16xi32>,
      %mul3A_217 = arith.constant 128 : i32
      %mul3A_218 = arith.muli %while3A_46, %mul3A_217 : i32
      %add3A_219 = arith.constant 96 : i32
      %add3A_220 = arith.addi %mul3A_218, %add3A_219 : i32
      %get3A_221 = arith.index_cast %add3A_220 : i32 to index
      %get3A_222 = tpu.vector_load %arg6[%get3A_221] {strides = array<i32>} : memref<10112xi32, #tpu.memory_space<vmem>>, vector<16xi32>,
      %get3A_223 = vector.shape_cast %get3A_222 : vector<16xi32> to vector<16xi32>
      %get3A_224 = arith.index_cast %add3A_220 : i32 to index
      %get3A_225 = tpu.vector_load %arg7[%get3A_224] {strides = array<i32>} : memref<10112xi32, #tpu.memory_space<vmem>>, vector<16xi32>,
      %get3A_226 = vector.shape_cast %get3A_225 : vector<16xi32> to vector<16xi32>
      %shift_right_arithmetic3A_227 = arith.constant 8 : i32
      %shift_right_arithmetic3A_228 = vector.broadcast %shift_right_arithmetic3A_227 : i32 to vector<16xi32>
      %shift_right_arithmetic3A_229 = arith.shrsi %get3A_226, %shift_right_arithmetic3A_228 : vector<16xi32>
      %mul3A_230 = arith.constant 1280000 : i32
      %mul3A_231 = vector.broadcast %mul3A_230 : i32 to vector<16xi32>
      %mul3A_232 = arith.muli %shift_right_arithmetic3A_229, %mul3A_231 : vector<16xi32>
      %mul3A_233 = arith.constant 128 : i32
      %mul3A_234 = vector.broadcast %mul3A_233 : i32 to vector<16xi32>
      %mul3A_235 = arith.muli %get3A_223, %mul3A_234 : vector<16xi32>
      %add3A_236 = arith.addi %mul3A_232, %mul3A_235 : vector<16xi32>
      %and3A_237 = arith.constant 127 : i32
      %and3A_238 = vector.broadcast %and3A_237 : i32 to vector<16xi32>
      %and3A_239 = arith.andi %get3A_226, %and3A_238 : vector<16xi32>
      %add3A_240 = arith.addi %add3A_236, %and3A_239 : vector<16xi32>
      %swap3A_241 = arith.index_cast %while3A_46 : i32 to index
      %swap3A_242 = arith.constant 96 : index
      %swap3A_243 = tpu.vector_load %arg8[%swap3A_241, %swap3A_242] {strides = array<i32>} : memref<79x128xi32, #tpu.memory_space<vmem>>, vector<1x16xi32>,
      %swap3A_244 = vector.shape_cast %swap3A_243 : vector<1x16xi32> to vector<16xi32>
      %swap3A_245 = vector.shape_cast %add3A_240 : vector<16xi32> to vector<1x16xi32>
      tpu.vector_store %arg8[%swap3A_241, %swap3A_242], %swap3A_245 {strides = array<i32>} : memref<79x128xi32, #tpu.memory_space<vmem>>, vector<1x16xi32>,
      %mul3A_246 = arith.constant 128 : i32
      %mul3A_247 = arith.muli %while3A_46, %mul3A_246 : i32
      %add3A_248 = arith.constant 112 : i32
      %add3A_249 = arith.addi %mul3A_247, %add3A_248 : i32
      %get3A_250 = arith.index_cast %add3A_249 : i32 to index
      %get3A_251 = tpu.vector_load %arg6[%get3A_250] {strides = array<i32>} : memref<10112xi32, #tpu.memory_space<vmem>>, vector<16xi32>,
      %get3A_252 = vector.shape_cast %get3A_251 : vector<16xi32> to vector<16xi32>
      %get3A_253 = arith.index_cast %add3A_249 : i32 to index
      %get3A_254 = tpu.vector_load %arg7[%get3A_253] {strides = array<i32>} : memref<10112xi32, #tpu.memory_space<vmem>>, vector<16xi32>,
      %get3A_255 = vector.shape_cast %get3A_254 : vector<16xi32> to vector<16xi32>
      %shift_right_arithmetic3A_256 = arith.constant 8 : i32
      %shift_right_arithmetic3A_257 = vector.broadcast %shift_right_arithmetic3A_256 : i32 to vector<16xi32>
      %shift_right_arithmetic3A_258 = arith.shrsi %get3A_255, %shift_right_arithmetic3A_257 : vector<16xi32>
      %mul3A_259 = arith.constant 1280000 : i32
      %mul3A_260 = vector.broadcast %mul3A_259 : i32 to vector<16xi32>
      %mul3A_261 = arith.muli %shift_right_arithmetic3A_258, %mul3A_260 : vector<16xi32>
      %mul3A_262 = arith.constant 128 : i32
      %mul3A_263 = vector.broadcast %mul3A_262 : i32 to vector<16xi32>
      %mul3A_264 = arith.muli %get3A_252, %mul3A_263 : vector<16xi32>
      %add3A_265 = arith.addi %mul3A_261, %mul3A_264 : vector<16xi32>
      %and3A_266 = arith.constant 127 : i32
      %and3A_267 = vector.broadcast %and3A_266 : i32 to vector<16xi32>
      %and3A_268 = arith.andi %get3A_255, %and3A_267 : vector<16xi32>
      %add3A_269 = arith.addi %add3A_265, %and3A_268 : vector<16xi32>
      %swap3A_270 = arith.index_cast %while3A_46 : i32 to index
      %swap3A_271 = arith.constant 112 : index
      %swap3A_272 = tpu.vector_load %arg8[%swap3A_270, %swap3A_271] {strides = array<i32>} : memref<79x128xi32, #tpu.memory_space<vmem>>, vector<1x16xi32>,
      %swap3A_273 = vector.shape_cast %swap3A_272 : vector<1x16xi32> to vector<16xi32>
      %swap3A_274 = vector.shape_cast %add3A_269 : vector<16xi32> to vector<1x16xi32>
      tpu.vector_store %arg8[%swap3A_270, %swap3A_271], %swap3A_274 {strides = array<i32>} : memref<79x128xi32, #tpu.memory_space<vmem>>, vector<1x16xi32>,
      %mul3A_275 = arith.constant 128 : i32
      %mul3A_276 = arith.muli %while3A_46, %mul3A_275 : i32
      %dma_start3A = tpu.memref_slice %arg9[%mul3A_276] : memref<10112xi32, #tpu.memory_space<vmem>> -> memref<128xi32, #tpu.memory_space<vmem>>
      %dma_start3A_277 = arith.constant 0 : i32
      %dma_start3A_278 = tpu.memref_slice %arg8[%while3A_46, %dma_start3A_277] : memref<79x128xi32, #tpu.memory_space<vmem>> -> memref<1x128xi32, #tpu.memory_space<vmem>>
      %dma_start3A_279 = tpu.memref_squeeze %dma_start3A_278 : memref<1x128xi32, #tpu.memory_space<vmem>> -> memref<128xi32, #tpu.memory_space<vmem>>
      %dma_start3A_280 = arith.constant 0 : i32
      %dma_start3A_281 = tpu.memref_slice %arg2[%dma_start3A_280] : memref<5120000xi32, #tpu.memory_space<hbm>> -> memref<5120000xi32, #tpu.memory_space<hbm>>
      tpu.enqueue_indirect_dma source(%dma_start3A_281 : memref<5120000xi32, #tpu.memory_space<hbm>>) target(%dma_start3A : memref<128xi32, #tpu.memory_space<vmem>>) offsets(%dma_start3A_279 : memref<128xi32, #tpu.memory_space<vmem>>) semaphore(%arg11 : memref<!tpu.dma_semaphore, #tpu.memory_space<semaphore_mem>>)
    }
    %while3A_20 = arith.constant 1 : i32
    scf.for %while3A_46 = %while3A_18 to %while3A_14 step %while3A_20  : i32 {
      %mul3A_47 = arith.constant 128 : i32
      %mul3A_48 = arith.muli %while3A_46, %mul3A_47 : i32
      %add3A_49 = arith.constant 0 : i32
      %add3A_50 = arith.addi %mul3A_48, %add3A_49 : i32
      %get3A = arith.index_cast %add3A_50 : i32 to index
      %get3A_51 = tpu.vector_load %arg6[%get3A] {strides = array<i32>} : memref<10112xi32, #tpu.memory_space<vmem>>, vector<16xi32>,
      %get3A_52 = vector.shape_cast %get3A_51 : vector<16xi32> to vector<16xi32>
      %get3A_53 = arith.index_cast %add3A_50 : i32 to index
      %get3A_54 = tpu.vector_load %arg7[%get3A_53] {strides = array<i32>} : memref<10112xi32, #tpu.memory_space<vmem>>, vector<16xi32>,
      %get3A_55 = vector.shape_cast %get3A_54 : vector<16xi32> to vector<16xi32>
      %shift_right_arithmetic3A = arith.constant 8 : i32
      %shift_right_arithmetic3A_56 = vector.broadcast %shift_right_arithmetic3A : i32 to vector<16xi32>
      %shift_right_arithmetic3A_57 = arith.shrsi %get3A_55, %shift_right_arithmetic3A_56 : vector<16xi32>
      %mul3A_58 = arith.constant 1280000 : i32
      %mul3A_59 = vector.broadcast %mul3A_58 : i32 to vector<16xi32>
      %mul3A_60 = arith.muli %shift_right_arithmetic3A_57, %mul3A_59 : vector<16xi32>
      %mul3A_61 = arith.constant 128 : i32
      %mul3A_62 = vector.broadcast %mul3A_61 : i32 to vector<16xi32>
      %mul3A_63 = arith.muli %get3A_52, %mul3A_62 : vector<16xi32>
      %add3A_64 = arith.addi %mul3A_60, %mul3A_63 : vector<16xi32>
      %and3A = arith.constant 127 : i32
      %and3A_65 = vector.broadcast %and3A : i32 to vector<16xi32>
      %and3A_66 = arith.andi %get3A_55, %and3A_65 : vector<16xi32>
      %add3A_67 = arith.addi %add3A_64, %and3A_66 : vector<16xi32>
      %swap3A = arith.index_cast %while3A_46 : i32 to index
      %swap3A_68 = arith.constant 0 : index
      %swap3A_69 = tpu.vector_load %arg8[%swap3A, %swap3A_68] {strides = array<i32>} : memref<79x128xi32, #tpu.memory_space<vmem>>, vector<1x16xi32>,
      %swap3A_70 = vector.shape_cast %swap3A_69 : vector<1x16xi32> to vector<16xi32>
      %swap3A_71 = vector.shape_cast %add3A_67 : vector<16xi32> to vector<1x16xi32>
      tpu.vector_store %arg8[%swap3A, %swap3A_68], %swap3A_71 {strides = array<i32>} : memref<79x128xi32, #tpu.memory_space<vmem>>, vector<1x16xi32>,
      %mul3A_72 = arith.constant 128 : i32
      %mul3A_73 = arith.muli %while3A_46, %mul3A_72 : i32
      %add3A_74 = arith.constant 16 : i32
      %add3A_75 = arith.addi %mul3A_73, %add3A_74 : i32
      %get3A_76 = arith.index_cast %add3A_75 : i32 to index
      %get3A_77 = tpu.vector_load %arg6[%get3A_76] {strides = array<i32>} : memref<10112xi32, #tpu.memory_space<vmem>>, vector<16xi32>,
      %get3A_78 = vector.shape_cast %get3A_77 : vector<16xi32> to vector<16xi32>
      %get3A_79 = arith.index_cast %add3A_75 : i32 to index
      %get3A_80 = tpu.vector_load %arg7[%get3A_79] {strides = array<i32>} : memref<10112xi32, #tpu.memory_space<vmem>>, vector<16xi32>,
      %get3A_81 = vector.shape_cast %get3A_80 : vector<16xi32> to vector<16xi32>
      %shift_right_arithmetic3A_82 = arith.constant 8 : i32
      %shift_right_arithmetic3A_83 = vector.broadcast %shift_right_arithmetic3A_82 : i32 to vector<16xi32>
      %shift_right_arithmetic3A_84 = arith.shrsi %get3A_81, %shift_right_arithmetic3A_83 : vector<16xi32>
      %mul3A_85 = arith.constant 1280000 : i32
      %mul3A_86 = vector.broadcast %mul3A_85 : i32 to vector<16xi32>
      %mul3A_87 = arith.muli %shift_right_arithmetic3A_84, %mul3A_86 : vector<16xi32>
      %mul3A_88 = arith.constant 128 : i32
      %mul3A_89 = vector.broadcast %mul3A_88 : i32 to vector<16xi32>
      %mul3A_90 = arith.muli %get3A_78, %mul3A_89 : vector<16xi32>
      %add3A_91 = arith.addi %mul3A_87, %mul3A_90 : vector<16xi32>
      %and3A_92 = arith.constant 127 : i32
      %and3A_93 = vector.broadcast %and3A_92 : i32 to vector<16xi32>
      %and3A_94 = arith.andi %get3A_81, %and3A_93 : vector<16xi32>
      %add3A_95 = arith.addi %add3A_91, %and3A_94 : vector<16xi32>
      %swap3A_96 = arith.index_cast %while3A_46 : i32 to index
      %swap3A_97 = arith.constant 16 : index
      %swap3A_98 = tpu.vector_load %arg8[%swap3A_96, %swap3A_97] {strides = array<i32>} : memref<79x128xi32, #tpu.memory_space<vmem>>, vector<1x16xi32>,
      %swap3A_99 = vector.shape_cast %swap3A_98 : vector<1x16xi32> to vector<16xi32>
      %swap3A_100 = vector.shape_cast %add3A_95 : vector<16xi32> to vector<1x16xi32>
      tpu.vector_store %arg8[%swap3A_96, %swap3A_97], %swap3A_100 {strides = array<i32>} : memref<79x128xi32, #tpu.memory_space<vmem>>, vector<1x16xi32>,
      %mul3A_101 = arith.constant 128 : i32
      %mul3A_102 = arith.muli %while3A_46, %mul3A_101 : i32
      %add3A_103 = arith.constant 32 : i32
      %add3A_104 = arith.addi %mul3A_102, %add3A_103 : i32
      %get3A_105 = arith.index_cast %add3A_104 : i32 to index
      %get3A_106 = tpu.vector_load %arg6[%get3A_105] {strides = array<i32>} : memref<10112xi32, #tpu.memory_space<vmem>>, vector<16xi32>,
      %get3A_107 = vector.shape_cast %get3A_106 : vector<16xi32> to vector<16xi32>
      %get3A_108 = arith.index_cast %add3A_104 : i32 to index
      %get3A_109 = tpu.vector_load %arg7[%get3A_108] {strides = array<i32>} : memref<10112xi32, #tpu.memory_space<vmem>>, vector<16xi32>,
      %get3A_110 = vector.shape_cast %get3A_109 : vector<16xi32> to vector<16xi32>
      %shift_right_arithmetic3A_111 = arith.constant 8 : i32
      %shift_right_arithmetic3A_112 = vector.broadcast %shift_right_arithmetic3A_111 : i32 to vector<16xi32>
      %shift_right_arithmetic3A_113 = arith.shrsi %get3A_110, %shift_right_arithmetic3A_112 : vector<16xi32>
      %mul3A_114 = arith.constant 1280000 : i32
      %mul3A_115 = vector.broadcast %mul3A_114 : i32 to vector<16xi32>
      %mul3A_116 = arith.muli %shift_right_arithmetic3A_113, %mul3A_115 : vector<16xi32>
      %mul3A_117 = arith.constant 128 : i32
      %mul3A_118 = vector.broadcast %mul3A_117 : i32 to vector<16xi32>
      %mul3A_119 = arith.muli %get3A_107, %mul3A_118 : vector<16xi32>
      %add3A_120 = arith.addi %mul3A_116, %mul3A_119 : vector<16xi32>
      %and3A_121 = arith.constant 127 : i32
      %and3A_122 = vector.broadcast %and3A_121 : i32 to vector<16xi32>
      %and3A_123 = arith.andi %get3A_110, %and3A_122 : vector<16xi32>
      %add3A_124 = arith.addi %add3A_120, %and3A_123 : vector<16xi32>
      %swap3A_125 = arith.index_cast %while3A_46 : i32 to index
      %swap3A_126 = arith.constant 32 : index
      %swap3A_127 = tpu.vector_load %arg8[%swap3A_125, %swap3A_126] {strides = array<i32>} : memref<79x128xi32, #tpu.memory_space<vmem>>, vector<1x16xi32>,
      %swap3A_128 = vector.shape_cast %swap3A_127 : vector<1x16xi32> to vector<16xi32>
      %swap3A_129 = vector.shape_cast %add3A_124 : vector<16xi32> to vector<1x16xi32>
      tpu.vector_store %arg8[%swap3A_125, %swap3A_126], %swap3A_129 {strides = array<i32>} : memref<79x128xi32, #tpu.memory_space<vmem>>, vector<1x16xi32>,
      %mul3A_130 = arith.constant 128 : i32
      %mul3A_131 = arith.muli %while3A_46, %mul3A_130 : i32
      %add3A_132 = arith.constant 48 : i32
      %add3A_133 = arith.addi %mul3A_131, %add3A_132 : i32
      %get3A_134 = arith.index_cast %add3A_133 : i32 to index
      %get3A_135 = tpu.vector_load %arg6[%get3A_134] {strides = array<i32>} : memref<10112xi32, #tpu.memory_space<vmem>>, vector<16xi32>,
      %get3A_136 = vector.shape_cast %get3A_135 : vector<16xi32> to vector<16xi32>
      %get3A_137 = arith.index_cast %add3A_133 : i32 to index
      %get3A_138 = tpu.vector_load %arg7[%get3A_137] {strides = array<i32>} : memref<10112xi32, #tpu.memory_space<vmem>>, vector<16xi32>,
      %get3A_139 = vector.shape_cast %get3A_138 : vector<16xi32> to vector<16xi32>
      %shift_right_arithmetic3A_140 = arith.constant 8 : i32
      %shift_right_arithmetic3A_141 = vector.broadcast %shift_right_arithmetic3A_140 : i32 to vector<16xi32>
      %shift_right_arithmetic3A_142 = arith.shrsi %get3A_139, %shift_right_arithmetic3A_141 : vector<16xi32>
      %mul3A_143 = arith.constant 1280000 : i32
      %mul3A_144 = vector.broadcast %mul3A_143 : i32 to vector<16xi32>
      %mul3A_145 = arith.muli %shift_right_arithmetic3A_142, %mul3A_144 : vector<16xi32>
      %mul3A_146 = arith.constant 128 : i32
      %mul3A_147 = vector.broadcast %mul3A_146 : i32 to vector<16xi32>
      %mul3A_148 = arith.muli %get3A_136, %mul3A_147 : vector<16xi32>
      %add3A_149 = arith.addi %mul3A_145, %mul3A_148 : vector<16xi32>
      %and3A_150 = arith.constant 127 : i32
      %and3A_151 = vector.broadcast %and3A_150 : i32 to vector<16xi32>
      %and3A_152 = arith.andi %get3A_139, %and3A_151 : vector<16xi32>
      %add3A_153 = arith.addi %add3A_149, %and3A_152 : vector<16xi32>
      %swap3A_154 = arith.index_cast %while3A_46 : i32 to index
      %swap3A_155 = arith.constant 48 : index
      %swap3A_156 = tpu.vector_load %arg8[%swap3A_154, %swap3A_155] {strides = array<i32>} : memref<79x128xi32, #tpu.memory_space<vmem>>, vector<1x16xi32>,
      %swap3A_157 = vector.shape_cast %swap3A_156 : vector<1x16xi32> to vector<16xi32>
      %swap3A_158 = vector.shape_cast %add3A_153 : vector<16xi32> to vector<1x16xi32>
      tpu.vector_store %arg8[%swap3A_154, %swap3A_155], %swap3A_158 {strides = array<i32>} : memref<79x128xi32, #tpu.memory_space<vmem>>, vector<1x16xi32>,
      %mul3A_159 = arith.constant 128 : i32
      %mul3A_160 = arith.muli %while3A_46, %mul3A_159 : i32
      %add3A_161 = arith.constant 64 : i32
      %add3A_162 = arith.addi %mul3A_160, %add3A_161 : i32
      %get3A_163 = arith.index_cast %add3A_162 : i32 to index
      %get3A_164 = tpu.vector_load %arg6[%get3A_163] {strides = array<i32>} : memref<10112xi32, #tpu.memory_space<vmem>>, vector<16xi32>,
      %get3A_165 = vector.shape_cast %get3A_164 : vector<16xi32> to vector<16xi32>
      %get3A_166 = arith.index_cast %add3A_162 : i32 to index
      %get3A_167 = tpu.vector_load %arg7[%get3A_166] {strides = array<i32>} : memref<10112xi32, #tpu.memory_space<vmem>>, vector<16xi32>,
      %get3A_168 = vector.shape_cast %get3A_167 : vector<16xi32> to vector<16xi32>
      %shift_right_arithmetic3A_169 = arith.constant 8 : i32
      %shift_right_arithmetic3A_170 = vector.broadcast %shift_right_arithmetic3A_169 : i32 to vector<16xi32>
      %shift_right_arithmetic3A_171 = arith.shrsi %get3A_168, %shift_right_arithmetic3A_170 : vector<16xi32>
      %mul3A_172 = arith.constant 1280000 : i32
      %mul3A_173 = vector.broadcast %mul3A_172 : i32 to vector<16xi32>
      %mul3A_174 = arith.muli %shift_right_arithmetic3A_171, %mul3A_173 : vector<16xi32>
      %mul3A_175 = arith.constant 128 : i32
      %mul3A_176 = vector.broadcast %mul3A_175 : i32 to vector<16xi32>
      %mul3A_177 = arith.muli %get3A_165, %mul3A_176 : vector<16xi32>
      %add3A_178 = arith.addi %mul3A_174, %mul3A_177 : vector<16xi32>
      %and3A_179 = arith.constant 127 : i32
      %and3A_180 = vector.broadcast %and3A_179 : i32 to vector<16xi32>
      %and3A_181 = arith.andi %get3A_168, %and3A_180 : vector<16xi32>
      %add3A_182 = arith.addi %add3A_178, %and3A_181 : vector<16xi32>
      %swap3A_183 = arith.index_cast %while3A_46 : i32 to index
      %swap3A_184 = arith.constant 64 : index
      %swap3A_185 = tpu.vector_load %arg8[%swap3A_183, %swap3A_184] {strides = array<i32>} : memref<79x128xi32, #tpu.memory_space<vmem>>, vector<1x16xi32>,
      %swap3A_186 = vector.shape_cast %swap3A_185 : vector<1x16xi32> to vector<16xi32>
      %swap3A_187 = vector.shape_cast %add3A_182 : vector<16xi32> to vector<1x16xi32>
      tpu.vector_store %arg8[%swap3A_183, %swap3A_184], %swap3A_187 {strides = array<i32>} : memref<79x128xi32, #tpu.memory_space<vmem>>, vector<1x16xi32>,
      %mul3A_188 = arith.constant 128 : i32
      %mul3A_189 = arith.muli %while3A_46, %mul3A_188 : i32
      %add3A_190 = arith.constant 80 : i32
      %add3A_191 = arith.addi %mul3A_189, %add3A_190 : i32
      %get3A_192 = arith.index_cast %add3A_191 : i32 to index
      %get3A_193 = tpu.vector_load %arg6[%get3A_192] {strides = array<i32>} : memref<10112xi32, #tpu.memory_space<vmem>>, vector<16xi32>,
      %get3A_194 = vector.shape_cast %get3A_193 : vector<16xi32> to vector<16xi32>
      %get3A_195 = arith.index_cast %add3A_191 : i32 to index
      %get3A_196 = tpu.vector_load %arg7[%get3A_195] {strides = array<i32>} : memref<10112xi32, #tpu.memory_space<vmem>>, vector<16xi32>,
      %get3A_197 = vector.shape_cast %get3A_196 : vector<16xi32> to vector<16xi32>
      %shift_right_arithmetic3A_198 = arith.constant 8 : i32
      %shift_right_arithmetic3A_199 = vector.broadcast %shift_right_arithmetic3A_198 : i32 to vector<16xi32>
      %shift_right_arithmetic3A_200 = arith.shrsi %get3A_197, %shift_right_arithmetic3A_199 : vector<16xi32>
      %mul3A_201 = arith.constant 1280000 : i32
      %mul3A_202 = vector.broadcast %mul3A_201 : i32 to vector<16xi32>
      %mul3A_203 = arith.muli %shift_right_arithmetic3A_200, %mul3A_202 : vector<16xi32>
      %mul3A_204 = arith.constant 128 : i32
      %mul3A_205 = vector.broadcast %mul3A_204 : i32 to vector<16xi32>
      %mul3A_206 = arith.muli %get3A_194, %mul3A_205 : vector<16xi32>
      %add3A_207 = arith.addi %mul3A_203, %mul3A_206 : vector<16xi32>
      %and3A_208 = arith.constant 127 : i32
      %and3A_209 = vector.broadcast %and3A_208 : i32 to vector<16xi32>
      %and3A_210 = arith.andi %get3A_197, %and3A_209 : vector<16xi32>
      %add3A_211 = arith.addi %add3A_207, %and3A_210 : vector<16xi32>
      %swap3A_212 = arith.index_cast %while3A_46 : i32 to index
      %swap3A_213 = arith.constant 80 : index
      %swap3A_214 = tpu.vector_load %arg8[%swap3A_212, %swap3A_213] {strides = array<i32>} : memref<79x128xi32, #tpu.memory_space<vmem>>, vector<1x16xi32>,
      %swap3A_215 = vector.shape_cast %swap3A_214 : vector<1x16xi32> to vector<16xi32>
      %swap3A_216 = vector.shape_cast %add3A_211 : vector<16xi32> to vector<1x16xi32>
      tpu.vector_store %arg8[%swap3A_212, %swap3A_213], %swap3A_216 {strides = array<i32>} : memref<79x128xi32, #tpu.memory_space<vmem>>, vector<1x16xi32>,
      %mul3A_217 = arith.constant 128 : i32
      %mul3A_218 = arith.muli %while3A_46, %mul3A_217 : i32
      %add3A_219 = arith.constant 96 : i32
      %add3A_220 = arith.addi %mul3A_218, %add3A_219 : i32
      %get3A_221 = arith.index_cast %add3A_220 : i32 to index
      %get3A_222 = tpu.vector_load %arg6[%get3A_221] {strides = array<i32>} : memref<10112xi32, #tpu.memory_space<vmem>>, vector<16xi32>,
      %get3A_223 = vector.shape_cast %get3A_222 : vector<16xi32> to vector<16xi32>
      %get3A_224 = arith.index_cast %add3A_220 : i32 to index
      %get3A_225 = tpu.vector_load %arg7[%get3A_224] {strides = array<i32>} : memref<10112xi32, #tpu.memory_space<vmem>>, vector<16xi32>,
      %get3A_226 = vector.shape_cast %get3A_225 : vector<16xi32> to vector<16xi32>
      %shift_right_arithmetic3A_227 = arith.constant 8 : i32
      %shift_right_arithmetic3A_228 = vector.broadcast %shift_right_arithmetic3A_227 : i32 to vector<16xi32>
      %shift_right_arithmetic3A_229 = arith.shrsi %get3A_226, %shift_right_arithmetic3A_228 : vector<16xi32>
      %mul3A_230 = arith.constant 1280000 : i32
      %mul3A_231 = vector.broadcast %mul3A_230 : i32 to vector<16xi32>
      %mul3A_232 = arith.muli %shift_right_arithmetic3A_229, %mul3A_231 : vector<16xi32>
      %mul3A_233 = arith.constant 128 : i32
      %mul3A_234 = vector.broadcast %mul3A_233 : i32 to vector<16xi32>
      %mul3A_235 = arith.muli %get3A_223, %mul3A_234 : vector<16xi32>
      %add3A_236 = arith.addi %mul3A_232, %mul3A_235 : vector<16xi32>
      %and3A_237 = arith.constant 127 : i32
      %and3A_238 = vector.broadcast %and3A_237 : i32 to vector<16xi32>
      %and3A_239 = arith.andi %get3A_226, %and3A_238 : vector<16xi32>
      %add3A_240 = arith.addi %add3A_236, %and3A_239 : vector<16xi32>
      %swap3A_241 = arith.index_cast %while3A_46 : i32 to index
      %swap3A_242 = arith.constant 96 : index
      %swap3A_243 = tpu.vector_load %arg8[%swap3A_241, %swap3A_242] {strides = array<i32>} : memref<79x128xi32, #tpu.memory_space<vmem>>, vector<1x16xi32>,
      %swap3A_244 = vector.shape_cast %swap3A_243 : vector<1x16xi32> to vector<16xi32>
      %swap3A_245 = vector.shape_cast %add3A_240 : vector<16xi32> to vector<1x16xi32>
      tpu.vector_store %arg8[%swap3A_241, %swap3A_242], %swap3A_245 {strides = array<i32>} : memref<79x128xi32, #tpu.memory_space<vmem>>, vector<1x16xi32>,
      %mul3A_246 = arith.constant 128 : i32
      %mul3A_247 = arith.muli %while3A_46, %mul3A_246 : i32
      %add3A_248 = arith.constant 112 : i32
      %add3A_249 = arith.addi %mul3A_247, %add3A_248 : i32
      %get3A_250 = arith.index_cast %add3A_249 : i32 to index
      %get3A_251 = tpu.vector_load %arg6[%get3A_250] {strides = array<i32>} : memref<10112xi32, #tpu.memory_space<vmem>>, vector<16xi32>,
      %get3A_252 = vector.shape_cast %get3A_251 : vector<16xi32> to vector<16xi32>
      %get3A_253 = arith.index_cast %add3A_249 : i32 to index
      %get3A_254 = tpu.vector_load %arg7[%get3A_253] {strides = array<i32>} : memref<10112xi32, #tpu.memory_space<vmem>>, vector<16xi32>,
      %get3A_255 = vector.shape_cast %get3A_254 : vector<16xi32> to vector<16xi32>
      %shift_right_arithmetic3A_256 = arith.constant 8 : i32
      %shift_right_arithmetic3A_257 = vector.broadcast %shift_right_arithmetic3A_256 : i32 to vector<16xi32>
      %shift_right_arithmetic3A_258 = arith.shrsi %get3A_255, %shift_right_arithmetic3A_257 : vector<16xi32>
      %mul3A_259 = arith.constant 1280000 : i32
      %mul3A_260 = vector.broadcast %mul3A_259 : i32 to vector<16xi32>
      %mul3A_261 = arith.muli %shift_right_arithmetic3A_258, %mul3A_260 : vector<16xi32>
      %mul3A_262 = arith.constant 128 : i32
      %mul3A_263 = vector.broadcast %mul3A_262 : i32 to vector<16xi32>
      %mul3A_264 = arith.muli %get3A_252, %mul3A_263 : vector<16xi32>
      %add3A_265 = arith.addi %mul3A_261, %mul3A_264 : vector<16xi32>
      %and3A_266 = arith.constant 127 : i32
      %and3A_267 = vector.broadcast %and3A_266 : i32 to vector<16xi32>
      %and3A_268 = arith.andi %get3A_255, %and3A_267 : vector<16xi32>
      %add3A_269 = arith.addi %add3A_265, %and3A_268 : vector<16xi32>
      %swap3A_270 = arith.index_cast %while3A_46 : i32 to index
      %swap3A_271 = arith.constant 112 : index
      %swap3A_272 = tpu.vector_load %arg8[%swap3A_270, %swap3A_271] {strides = array<i32>} : memref<79x128xi32, #tpu.memory_space<vmem>>, vector<1x16xi32>,
      %swap3A_273 = vector.shape_cast %swap3A_272 : vector<1x16xi32> to vector<16xi32>
      %swap3A_274 = vector.shape_cast %add3A_269 : vector<16xi32> to vector<1x16xi32>
      tpu.vector_store %arg8[%swap3A_270, %swap3A_271], %swap3A_274 {strides = array<i32>} : memref<79x128xi32, #tpu.memory_space<vmem>>, vector<1x16xi32>,
      %mul3A_275 = arith.constant 128 : i32
      %mul3A_276 = arith.muli %while3A_46, %mul3A_275 : i32
      %dma_start3A = tpu.memref_slice %arg9[%mul3A_276] : memref<10112xi32, #tpu.memory_space<vmem>> -> memref<128xi32, #tpu.memory_space<vmem>>
      %dma_start3A_277 = arith.constant 0 : i32
      %dma_start3A_278 = tpu.memref_slice %arg8[%while3A_46, %dma_start3A_277] : memref<79x128xi32, #tpu.memory_space<vmem>> -> memref<1x128xi32, #tpu.memory_space<vmem>>
      %dma_start3A_279 = tpu.memref_squeeze %dma_start3A_278 : memref<1x128xi32, #tpu.memory_space<vmem>> -> memref<128xi32, #tpu.memory_space<vmem>>
      %dma_start3A_280 = arith.constant 0 : i32
      %dma_start3A_281 = tpu.memref_slice %arg2[%dma_start3A_280] : memref<5120000xi32, #tpu.memory_space<hbm>> -> memref<5120000xi32, #tpu.memory_space<hbm>>
      tpu.enqueue_indirect_dma source(%dma_start3A_281 : memref<5120000xi32, #tpu.memory_space<hbm>>) target(%dma_start3A : memref<128xi32, #tpu.memory_space<vmem>>) offsets(%dma_start3A_279 : memref<128xi32, #tpu.memory_space<vmem>>) semaphore(%arg11 : memref<!tpu.dma_semaphore, #tpu.memory_space<semaphore_mem>>)
    }
    %dma_wait3A = arith.constant 0 : i32
    %dma_wait3A_21 = tpu.memref_slice %arg9[%dma_wait3A] : memref<10112xi32, #tpu.memory_space<vmem>> -> memref<9984xi32, #tpu.memory_space<vmem>>
    %dma_wait3A_22 = tpu.memref_slice %arg3[%mul3A_8] : memref<320000xi32, #tpu.memory_space<hbm>> -> memref<9984xi32, #tpu.memory_space<hbm>>
    %dma_wait3A_23 = arith.constant 0 : i32
    %dma_wait3A_24 = tpu.memref_slice %arg9[%dma_wait3A_23] : memref<10112xi32, #tpu.memory_space<vmem>> -> memref<9984xi32, #tpu.memory_space<vmem>>
    %dma_wait3A_25 = tpu.memref_slice %arg3[%mul3A_8] : memref<320000xi32, #tpu.memory_space<hbm>> -> memref<9984xi32, #tpu.memory_space<hbm>>
    tpu.wait_dma2 semaphore(%arg11 : memref<!tpu.dma_semaphore, #tpu.memory_space<semaphore_mem>>) src(%dma_wait3A_25 : memref<9984xi32, #tpu.memory_space<hbm>>) dst(%dma_wait3A_24 : memref<9984xi32, #tpu.memory_space<vmem>>)
    %lt3A_26 = arith.constant 4 : i32
    %lt3A_27 = arith.cmpi slt, %add3A, %lt3A_26 : i32
    %convert_element_type3A_28 = arith.extui %lt3A_27 : i1 to i32
    %cond3A_29 = arith.constant 0 : i32
    %cond3A_30 = arith.cmpi ne, %convert_element_type3A_28, %cond3A_29 : i32
    scf.if %cond3A_30 {
      %dma_wait3A_46 = arith.constant 0 : i32
      %dma_wait3A_47 = tpu.memref_slice %arg9[%dma_wait3A_46] : memref<10112xi32, #tpu.memory_space<vmem>> -> memref<128xi32, #tpu.memory_space<vmem>>
      %dma_wait3A_48 = tpu.memref_slice %arg3[%mul3A_8] : memref<320000xi32, #tpu.memory_space<hbm>> -> memref<128xi32, #tpu.memory_space<hbm>>
      %dma_wait3A_49 = arith.constant 0 : i32
      %dma_wait3A_50 = tpu.memref_slice %arg9[%dma_wait3A_49] : memref<10112xi32, #tpu.memory_space<vmem>> -> memref<128xi32, #tpu.memory_space<vmem>>
      %dma_wait3A_51 = tpu.memref_slice %arg3[%mul3A_8] : memref<320000xi32, #tpu.memory_space<hbm>> -> memref<128xi32, #tpu.memory_space<hbm>>
      tpu.wait_dma2 semaphore(%arg11 : memref<!tpu.dma_semaphore, #tpu.memory_space<semaphore_mem>>) src(%dma_wait3A_51 : memref<128xi32, #tpu.memory_space<hbm>>) dst(%dma_wait3A_50 : memref<128xi32, #tpu.memory_space<vmem>>)
    } else {
    }
    %while3A_31 = arith.constant 0 : i32
    %while3A_32 = arith.constant 0 : i32
    %while3A_33 = arith.subi %select_n3A, %while3A_32 : i32
    %while3A_34 = arith.addi %while3A_32, %while3A_33 : i32
    %while3A_35 = arith.constant 1 : i32
    %while3A_36 = arith.divsi %while3A_33, %while3A_35 : i32
    %while3A_37 = arith.muli %while3A_36, %while3A_35 : i32
    %while3A_38 = arith.addi %while3A_32, %while3A_37 : i32
    %while3A_39 = arith.constant 1 : i32
    scf.for %while3A_46 = %while3A_32 to %while3A_38 step %while3A_39  : i32 {
      %mul3A_47 = arith.constant 128 : i32
      %mul3A_48 = arith.muli %while3A_46, %mul3A_47 : i32
      %add3A_49 = arith.constant 0 : i32
      %add3A_50 = arith.addi %mul3A_48, %add3A_49 : i32
      %get3A = arith.index_cast %add3A_50 : i32 to index
      %get3A_51 = tpu.vector_load %arg9[%get3A] {strides = array<i32>} : memref<10112xi32, #tpu.memory_space<vmem>>, vector<16xi32>,
      %get3A_52 = vector.shape_cast %get3A_51 : vector<16xi32> to vector<16xi32>
      %get3A_53 = arith.index_cast %add3A_50 : i32 to index
      %get3A_54 = tpu.vector_load %arg7[%get3A_53] {strides = array<i32>} : memref<10112xi32, #tpu.memory_space<vmem>>, vector<16xi32>,
      %get3A_55 = vector.shape_cast %get3A_54 : vector<16xi32> to vector<16xi32>
      %and3A = arith.constant 128 : i32
      %and3A_56 = vector.broadcast %and3A : i32 to vector<16xi32>
      %and3A_57 = arith.andi %get3A_55, %and3A_56 : vector<16xi32>
      %ne3A = arith.constant 0 : i32
      %ne3A_58 = vector.broadcast %ne3A : i32 to vector<16xi32>
      %ne3A_59 = arith.cmpi ne, %and3A_57, %ne3A_58 : vector<16xi32>
      %and3A_60 = arith.constant -65536 : i32
      %and3A_61 = vector.broadcast %and3A_60 : i32 to vector<16xi32>
      %and3A_62 = arith.andi %get3A_52, %and3A_61 : vector<16xi32>
      %shift_left3A = arith.constant 16 : i32
      %shift_left3A_63 = vector.broadcast %shift_left3A : i32 to vector<16xi32>
      %shift_left3A_64 = arith.shli %get3A_52, %shift_left3A_63 : vector<16xi32>
      %select_n3A_65 = arith.select %ne3A_59, %and3A_62, %shift_left3A_64 : vector<16xi1>, vector<16xi32>
      %bitcast_convert_type3A = tpu.bitcast %select_n3A_65 : vector<16xi32> -> vector<16xf32>
      %swap3A = arith.index_cast %add3A_50 : i32 to index
      %swap3A_66 = tpu.vector_load %arg10[%swap3A] {strides = array<i32>} : memref<10112xf32, #tpu.memory_space<vmem>>, vector<16xf32>,
      %swap3A_67 = vector.shape_cast %swap3A_66 : vector<16xf32> to vector<16xf32>
      %swap3A_68 = vector.shape_cast %bitcast_convert_type3A : vector<16xf32> to vector<16xf32>
      tpu.vector_store %arg10[%swap3A], %swap3A_68 {strides = array<i32>} : memref<10112xf32, #tpu.memory_space<vmem>>, vector<16xf32>,
      %mul3A_69 = arith.constant 128 : i32
      %mul3A_70 = arith.muli %while3A_46, %mul3A_69 : i32
      %add3A_71 = arith.constant 16 : i32
      %add3A_72 = arith.addi %mul3A_70, %add3A_71 : i32
      %get3A_73 = arith.index_cast %add3A_72 : i32 to index
      %get3A_74 = tpu.vector_load %arg9[%get3A_73] {strides = array<i32>} : memref<10112xi32, #tpu.memory_space<vmem>>, vector<16xi32>,
      %get3A_75 = vector.shape_cast %get3A_74 : vector<16xi32> to vector<16xi32>
      %get3A_76 = arith.index_cast %add3A_72 : i32 to index
      %get3A_77 = tpu.vector_load %arg7[%get3A_76] {strides = array<i32>} : memref<10112xi32, #tpu.memory_space<vmem>>, vector<16xi32>,
      %get3A_78 = vector.shape_cast %get3A_77 : vector<16xi32> to vector<16xi32>
      %and3A_79 = arith.constant 128 : i32
      %and3A_80 = vector.broadcast %and3A_79 : i32 to vector<16xi32>
      %and3A_81 = arith.andi %get3A_78, %and3A_80 : vector<16xi32>
      %ne3A_82 = arith.constant 0 : i32
      %ne3A_83 = vector.broadcast %ne3A_82 : i32 to vector<16xi32>
      %ne3A_84 = arith.cmpi ne, %and3A_81, %ne3A_83 : vector<16xi32>
      %and3A_85 = arith.constant -65536 : i32
      %and3A_86 = vector.broadcast %and3A_85 : i32 to vector<16xi32>
      %and3A_87 = arith.andi %get3A_75, %and3A_86 : vector<16xi32>
      %shift_left3A_88 = arith.constant 16 : i32
      %shift_left3A_89 = vector.broadcast %shift_left3A_88 : i32 to vector<16xi32>
      %shift_left3A_90 = arith.shli %get3A_75, %shift_left3A_89 : vector<16xi32>
      %select_n3A_91 = arith.select %ne3A_84, %and3A_87, %shift_left3A_90 : vector<16xi1>, vector<16xi32>
      %bitcast_convert_type3A_92 = tpu.bitcast %select_n3A_91 : vector<16xi32> -> vector<16xf32>
      %swap3A_93 = arith.index_cast %add3A_72 : i32 to index
      %swap3A_94 = tpu.vector_load %arg10[%swap3A_93] {strides = array<i32>} : memref<10112xf32, #tpu.memory_space<vmem>>, vector<16xf32>,
      %swap3A_95 = vector.shape_cast %swap3A_94 : vector<16xf32> to vector<16xf32>
      %swap3A_96 = vector.shape_cast %bitcast_convert_type3A_92 : vector<16xf32> to vector<16xf32>
      tpu.vector_store %arg10[%swap3A_93], %swap3A_96 {strides = array<i32>} : memref<10112xf32, #tpu.memory_space<vmem>>, vector<16xf32>,
      %mul3A_97 = arith.constant 128 : i32
      %mul3A_98 = arith.muli %while3A_46, %mul3A_97 : i32
      %add3A_99 = arith.constant 32 : i32
      %add3A_100 = arith.addi %mul3A_98, %add3A_99 : i32
      %get3A_101 = arith.index_cast %add3A_100 : i32 to index
      %get3A_102 = tpu.vector_load %arg9[%get3A_101] {strides = array<i32>} : memref<10112xi32, #tpu.memory_space<vmem>>, vector<16xi32>,
      %get3A_103 = vector.shape_cast %get3A_102 : vector<16xi32> to vector<16xi32>
      %get3A_104 = arith.index_cast %add3A_100 : i32 to index
      %get3A_105 = tpu.vector_load %arg7[%get3A_104] {strides = array<i32>} : memref<10112xi32, #tpu.memory_space<vmem>>, vector<16xi32>,
      %get3A_106 = vector.shape_cast %get3A_105 : vector<16xi32> to vector<16xi32>
      %and3A_107 = arith.constant 128 : i32
      %and3A_108 = vector.broadcast %and3A_107 : i32 to vector<16xi32>
      %and3A_109 = arith.andi %get3A_106, %and3A_108 : vector<16xi32>
      %ne3A_110 = arith.constant 0 : i32
      %ne3A_111 = vector.broadcast %ne3A_110 : i32 to vector<16xi32>
      %ne3A_112 = arith.cmpi ne, %and3A_109, %ne3A_111 : vector<16xi32>
      %and3A_113 = arith.constant -65536 : i32
      %and3A_114 = vector.broadcast %and3A_113 : i32 to vector<16xi32>
      %and3A_115 = arith.andi %get3A_103, %and3A_114 : vector<16xi32>
      %shift_left3A_116 = arith.constant 16 : i32
      %shift_left3A_117 = vector.broadcast %shift_left3A_116 : i32 to vector<16xi32>
      %shift_left3A_118 = arith.shli %get3A_103, %shift_left3A_117 : vector<16xi32>
      %select_n3A_119 = arith.select %ne3A_112, %and3A_115, %shift_left3A_118 : vector<16xi1>, vector<16xi32>
      %bitcast_convert_type3A_120 = tpu.bitcast %select_n3A_119 : vector<16xi32> -> vector<16xf32>
      %swap3A_121 = arith.index_cast %add3A_100 : i32 to index
      %swap3A_122 = tpu.vector_load %arg10[%swap3A_121] {strides = array<i32>} : memref<10112xf32, #tpu.memory_space<vmem>>, vector<16xf32>,
      %swap3A_123 = vector.shape_cast %swap3A_122 : vector<16xf32> to vector<16xf32>
      %swap3A_124 = vector.shape_cast %bitcast_convert_type3A_120 : vector<16xf32> to vector<16xf32>
      tpu.vector_store %arg10[%swap3A_121], %swap3A_124 {strides = array<i32>} : memref<10112xf32, #tpu.memory_space<vmem>>, vector<16xf32>,
      %mul3A_125 = arith.constant 128 : i32
      %mul3A_126 = arith.muli %while3A_46, %mul3A_125 : i32
      %add3A_127 = arith.constant 48 : i32
      %add3A_128 = arith.addi %mul3A_126, %add3A_127 : i32
      %get3A_129 = arith.index_cast %add3A_128 : i32 to index
      %get3A_130 = tpu.vector_load %arg9[%get3A_129] {strides = array<i32>} : memref<10112xi32, #tpu.memory_space<vmem>>, vector<16xi32>,
      %get3A_131 = vector.shape_cast %get3A_130 : vector<16xi32> to vector<16xi32>
      %get3A_132 = arith.index_cast %add3A_128 : i32 to index
      %get3A_133 = tpu.vector_load %arg7[%get3A_132] {strides = array<i32>} : memref<10112xi32, #tpu.memory_space<vmem>>, vector<16xi32>,
      %get3A_134 = vector.shape_cast %get3A_133 : vector<16xi32> to vector<16xi32>
      %and3A_135 = arith.constant 128 : i32
      %and3A_136 = vector.broadcast %and3A_135 : i32 to vector<16xi32>
      %and3A_137 = arith.andi %get3A_134, %and3A_136 : vector<16xi32>
      %ne3A_138 = arith.constant 0 : i32
      %ne3A_139 = vector.broadcast %ne3A_138 : i32 to vector<16xi32>
      %ne3A_140 = arith.cmpi ne, %and3A_137, %ne3A_139 : vector<16xi32>
      %and3A_141 = arith.constant -65536 : i32
      %and3A_142 = vector.broadcast %and3A_141 : i32 to vector<16xi32>
      %and3A_143 = arith.andi %get3A_131, %and3A_142 : vector<16xi32>
      %shift_left3A_144 = arith.constant 16 : i32
      %shift_left3A_145 = vector.broadcast %shift_left3A_144 : i32 to vector<16xi32>
      %shift_left3A_146 = arith.shli %get3A_131, %shift_left3A_145 : vector<16xi32>
      %select_n3A_147 = arith.select %ne3A_140, %and3A_143, %shift_left3A_146 : vector<16xi1>, vector<16xi32>
      %bitcast_convert_type3A_148 = tpu.bitcast %select_n3A_147 : vector<16xi32> -> vector<16xf32>
      %swap3A_149 = arith.index_cast %add3A_128 : i32 to index
      %swap3A_150 = tpu.vector_load %arg10[%swap3A_149] {strides = array<i32>} : memref<10112xf32, #tpu.memory_space<vmem>>, vector<16xf32>,
      %swap3A_151 = vector.shape_cast %swap3A_150 : vector<16xf32> to vector<16xf32>
      %swap3A_152 = vector.shape_cast %bitcast_convert_type3A_148 : vector<16xf32> to vector<16xf32>
      tpu.vector_store %arg10[%swap3A_149], %swap3A_152 {strides = array<i32>} : memref<10112xf32, #tpu.memory_space<vmem>>, vector<16xf32>,
      %mul3A_153 = arith.constant 128 : i32
      %mul3A_154 = arith.muli %while3A_46, %mul3A_153 : i32
      %add3A_155 = arith.constant 64 : i32
      %add3A_156 = arith.addi %mul3A_154, %add3A_155 : i32
      %get3A_157 = arith.index_cast %add3A_156 : i32 to index
      %get3A_158 = tpu.vector_load %arg9[%get3A_157] {strides = array<i32>} : memref<10112xi32, #tpu.memory_space<vmem>>, vector<16xi32>,
      %get3A_159 = vector.shape_cast %get3A_158 : vector<16xi32> to vector<16xi32>
      %get3A_160 = arith.index_cast %add3A_156 : i32 to index
      %get3A_161 = tpu.vector_load %arg7[%get3A_160] {strides = array<i32>} : memref<10112xi32, #tpu.memory_space<vmem>>, vector<16xi32>,
      %get3A_162 = vector.shape_cast %get3A_161 : vector<16xi32> to vector<16xi32>
      %and3A_163 = arith.constant 128 : i32
      %and3A_164 = vector.broadcast %and3A_163 : i32 to vector<16xi32>
      %and3A_165 = arith.andi %get3A_162, %and3A_164 : vector<16xi32>
      %ne3A_166 = arith.constant 0 : i32
      %ne3A_167 = vector.broadcast %ne3A_166 : i32 to vector<16xi32>
      %ne3A_168 = arith.cmpi ne, %and3A_165, %ne3A_167 : vector<16xi32>
      %and3A_169 = arith.constant -65536 : i32
      %and3A_170 = vector.broadcast %and3A_169 : i32 to vector<16xi32>
      %and3A_171 = arith.andi %get3A_159, %and3A_170 : vector<16xi32>
      %shift_left3A_172 = arith.constant 16 : i32
      %shift_left3A_173 = vector.broadcast %shift_left3A_172 : i32 to vector<16xi32>
      %shift_left3A_174 = arith.shli %get3A_159, %shift_left3A_173 : vector<16xi32>
      %select_n3A_175 = arith.select %ne3A_168, %and3A_171, %shift_left3A_174 : vector<16xi1>, vector<16xi32>
      %bitcast_convert_type3A_176 = tpu.bitcast %select_n3A_175 : vector<16xi32> -> vector<16xf32>
      %swap3A_177 = arith.index_cast %add3A_156 : i32 to index
      %swap3A_178 = tpu.vector_load %arg10[%swap3A_177] {strides = array<i32>} : memref<10112xf32, #tpu.memory_space<vmem>>, vector<16xf32>,
      %swap3A_179 = vector.shape_cast %swap3A_178 : vector<16xf32> to vector<16xf32>
      %swap3A_180 = vector.shape_cast %bitcast_convert_type3A_176 : vector<16xf32> to vector<16xf32>
      tpu.vector_store %arg10[%swap3A_177], %swap3A_180 {strides = array<i32>} : memref<10112xf32, #tpu.memory_space<vmem>>, vector<16xf32>,
      %mul3A_181 = arith.constant 128 : i32
      %mul3A_182 = arith.muli %while3A_46, %mul3A_181 : i32
      %add3A_183 = arith.constant 80 : i32
      %add3A_184 = arith.addi %mul3A_182, %add3A_183 : i32
      %get3A_185 = arith.index_cast %add3A_184 : i32 to index
      %get3A_186 = tpu.vector_load %arg9[%get3A_185] {strides = array<i32>} : memref<10112xi32, #tpu.memory_space<vmem>>, vector<16xi32>,
      %get3A_187 = vector.shape_cast %get3A_186 : vector<16xi32> to vector<16xi32>
      %get3A_188 = arith.index_cast %add3A_184 : i32 to index
      %get3A_189 = tpu.vector_load %arg7[%get3A_188] {strides = array<i32>} : memref<10112xi32, #tpu.memory_space<vmem>>, vector<16xi32>,
      %get3A_190 = vector.shape_cast %get3A_189 : vector<16xi32> to vector<16xi32>
      %and3A_191 = arith.constant 128 : i32
      %and3A_192 = vector.broadcast %and3A_191 : i32 to vector<16xi32>
      %and3A_193 = arith.andi %get3A_190, %and3A_192 : vector<16xi32>
      %ne3A_194 = arith.constant 0 : i32
      %ne3A_195 = vector.broadcast %ne3A_194 : i32 to vector<16xi32>
      %ne3A_196 = arith.cmpi ne, %and3A_193, %ne3A_195 : vector<16xi32>
      %and3A_197 = arith.constant -65536 : i32
      %and3A_198 = vector.broadcast %and3A_197 : i32 to vector<16xi32>
      %and3A_199 = arith.andi %get3A_187, %and3A_198 : vector<16xi32>
      %shift_left3A_200 = arith.constant 16 : i32
      %shift_left3A_201 = vector.broadcast %shift_left3A_200 : i32 to vector<16xi32>
      %shift_left3A_202 = arith.shli %get3A_187, %shift_left3A_201 : vector<16xi32>
      %select_n3A_203 = arith.select %ne3A_196, %and3A_199, %shift_left3A_202 : vector<16xi1>, vector<16xi32>
      %bitcast_convert_type3A_204 = tpu.bitcast %select_n3A_203 : vector<16xi32> -> vector<16xf32>
      %swap3A_205 = arith.index_cast %add3A_184 : i32 to index
      %swap3A_206 = tpu.vector_load %arg10[%swap3A_205] {strides = array<i32>} : memref<10112xf32, #tpu.memory_space<vmem>>, vector<16xf32>,
      %swap3A_207 = vector.shape_cast %swap3A_206 : vector<16xf32> to vector<16xf32>
      %swap3A_208 = vector.shape_cast %bitcast_convert_type3A_204 : vector<16xf32> to vector<16xf32>
      tpu.vector_store %arg10[%swap3A_205], %swap3A_208 {strides = array<i32>} : memref<10112xf32, #tpu.memory_space<vmem>>, vector<16xf32>,
      %mul3A_209 = arith.constant 128 : i32
      %mul3A_210 = arith.muli %while3A_46, %mul3A_209 : i32
      %add3A_211 = arith.constant 96 : i32
      %add3A_212 = arith.addi %mul3A_210, %add3A_211 : i32
      %get3A_213 = arith.index_cast %add3A_212 : i32 to index
      %get3A_214 = tpu.vector_load %arg9[%get3A_213] {strides = array<i32>} : memref<10112xi32, #tpu.memory_space<vmem>>, vector<16xi32>,
      %get3A_215 = vector.shape_cast %get3A_214 : vector<16xi32> to vector<16xi32>
      %get3A_216 = arith.index_cast %add3A_212 : i32 to index
      %get3A_217 = tpu.vector_load %arg7[%get3A_216] {strides = array<i32>} : memref<10112xi32, #tpu.memory_space<vmem>>, vector<16xi32>,
      %get3A_218 = vector.shape_cast %get3A_217 : vector<16xi32> to vector<16xi32>
      %and3A_219 = arith.constant 128 : i32
      %and3A_220 = vector.broadcast %and3A_219 : i32 to vector<16xi32>
      %and3A_221 = arith.andi %get3A_218, %and3A_220 : vector<16xi32>
      %ne3A_222 = arith.constant 0 : i32
      %ne3A_223 = vector.broadcast %ne3A_222 : i32 to vector<16xi32>
      %ne3A_224 = arith.cmpi ne, %and3A_221, %ne3A_223 : vector<16xi32>
      %and3A_225 = arith.constant -65536 : i32
      %and3A_226 = vector.broadcast %and3A_225 : i32 to vector<16xi32>
      %and3A_227 = arith.andi %get3A_215, %and3A_226 : vector<16xi32>
      %shift_left3A_228 = arith.constant 16 : i32
      %shift_left3A_229 = vector.broadcast %shift_left3A_228 : i32 to vector<16xi32>
      %shift_left3A_230 = arith.shli %get3A_215, %shift_left3A_229 : vector<16xi32>
      %select_n3A_231 = arith.select %ne3A_224, %and3A_227, %shift_left3A_230 : vector<16xi1>, vector<16xi32>
      %bitcast_convert_type3A_232 = tpu.bitcast %select_n3A_231 : vector<16xi32> -> vector<16xf32>
      %swap3A_233 = arith.index_cast %add3A_212 : i32 to index
      %swap3A_234 = tpu.vector_load %arg10[%swap3A_233] {strides = array<i32>} : memref<10112xf32, #tpu.memory_space<vmem>>, vector<16xf32>,
      %swap3A_235 = vector.shape_cast %swap3A_234 : vector<16xf32> to vector<16xf32>
      %swap3A_236 = vector.shape_cast %bitcast_convert_type3A_232 : vector<16xf32> to vector<16xf32>
      tpu.vector_store %arg10[%swap3A_233], %swap3A_236 {strides = array<i32>} : memref<10112xf32, #tpu.memory_space<vmem>>, vector<16xf32>,
      %mul3A_237 = arith.constant 128 : i32
      %mul3A_238 = arith.muli %while3A_46, %mul3A_237 : i32
      %add3A_239 = arith.constant 112 : i32
      %add3A_240 = arith.addi %mul3A_238, %add3A_239 : i32
      %get3A_241 = arith.index_cast %add3A_240 : i32 to index
      %get3A_242 = tpu.vector_load %arg9[%get3A_241] {strides = array<i32>} : memref<10112xi32, #tpu.memory_space<vmem>>, vector<16xi32>,
      %get3A_243 = vector.shape_cast %get3A_242 : vector<16xi32> to vector<16xi32>
      %get3A_244 = arith.index_cast %add3A_240 : i32 to index
      %get3A_245 = tpu.vector_load %arg7[%get3A_244] {strides = array<i32>} : memref<10112xi32, #tpu.memory_space<vmem>>, vector<16xi32>,
      %get3A_246 = vector.shape_cast %get3A_245 : vector<16xi32> to vector<16xi32>
      %and3A_247 = arith.constant 128 : i32
      %and3A_248 = vector.broadcast %and3A_247 : i32 to vector<16xi32>
      %and3A_249 = arith.andi %get3A_246, %and3A_248 : vector<16xi32>
      %ne3A_250 = arith.constant 0 : i32
      %ne3A_251 = vector.broadcast %ne3A_250 : i32 to vector<16xi32>
      %ne3A_252 = arith.cmpi ne, %and3A_249, %ne3A_251 : vector<16xi32>
      %and3A_253 = arith.constant -65536 : i32
      %and3A_254 = vector.broadcast %and3A_253 : i32 to vector<16xi32>
      %and3A_255 = arith.andi %get3A_243, %and3A_254 : vector<16xi32>
      %shift_left3A_256 = arith.constant 16 : i32
      %shift_left3A_257 = vector.broadcast %shift_left3A_256 : i32 to vector<16xi32>
      %shift_left3A_258 = arith.shli %get3A_243, %shift_left3A_257 : vector<16xi32>
      %select_n3A_259 = arith.select %ne3A_252, %and3A_255, %shift_left3A_258 : vector<16xi1>, vector<16xi32>
      %bitcast_convert_type3A_260 = tpu.bitcast %select_n3A_259 : vector<16xi32> -> vector<16xf32>
      %swap3A_261 = arith.index_cast %add3A_240 : i32 to index
      %swap3A_262 = tpu.vector_load %arg10[%swap3A_261] {strides = array<i32>} : memref<10112xf32, #tpu.memory_space<vmem>>, vector<16xf32>,
      %swap3A_263 = vector.shape_cast %swap3A_262 : vector<16xf32> to vector<16xf32>
      %swap3A_264 = vector.shape_cast %bitcast_convert_type3A_260 : vector<16xf32> to vector<16xf32>
      tpu.vector_store %arg10[%swap3A_261], %swap3A_264 {strides = array<i32>} : memref<10112xf32, #tpu.memory_space<vmem>>, vector<16xf32>,
    }
    %while3A_40 = arith.constant 1 : i32
    scf.for %while3A_46 = %while3A_38 to %while3A_34 step %while3A_40  : i32 {
      %mul3A_47 = arith.constant 128 : i32
      %mul3A_48 = arith.muli %while3A_46, %mul3A_47 : i32
      %add3A_49 = arith.constant 0 : i32
      %add3A_50 = arith.addi %mul3A_48, %add3A_49 : i32
      %get3A = arith.index_cast %add3A_50 : i32 to index
      %get3A_51 = tpu.vector_load %arg9[%get3A] {strides = array<i32>} : memref<10112xi32, #tpu.memory_space<vmem>>, vector<16xi32>,
      %get3A_52 = vector.shape_cast %get3A_51 : vector<16xi32> to vector<16xi32>
      %get3A_53 = arith.index_cast %add3A_50 : i32 to index
      %get3A_54 = tpu.vector_load %arg7[%get3A_53] {strides = array<i32>} : memref<10112xi32, #tpu.memory_space<vmem>>, vector<16xi32>,
      %get3A_55 = vector.shape_cast %get3A_54 : vector<16xi32> to vector<16xi32>
      %and3A = arith.constant 128 : i32
      %and3A_56 = vector.broadcast %and3A : i32 to vector<16xi32>
      %and3A_57 = arith.andi %get3A_55, %and3A_56 : vector<16xi32>
      %ne3A = arith.constant 0 : i32
      %ne3A_58 = vector.broadcast %ne3A : i32 to vector<16xi32>
      %ne3A_59 = arith.cmpi ne, %and3A_57, %ne3A_58 : vector<16xi32>
      %and3A_60 = arith.constant -65536 : i32
      %and3A_61 = vector.broadcast %and3A_60 : i32 to vector<16xi32>
      %and3A_62 = arith.andi %get3A_52, %and3A_61 : vector<16xi32>
      %shift_left3A = arith.constant 16 : i32
      %shift_left3A_63 = vector.broadcast %shift_left3A : i32 to vector<16xi32>
      %shift_left3A_64 = arith.shli %get3A_52, %shift_left3A_63 : vector<16xi32>
      %select_n3A_65 = arith.select %ne3A_59, %and3A_62, %shift_left3A_64 : vector<16xi1>, vector<16xi32>
      %bitcast_convert_type3A = tpu.bitcast %select_n3A_65 : vector<16xi32> -> vector<16xf32>
      %swap3A = arith.index_cast %add3A_50 : i32 to index
      %swap3A_66 = tpu.vector_load %arg10[%swap3A] {strides = array<i32>} : memref<10112xf32, #tpu.memory_space<vmem>>, vector<16xf32>,
      %swap3A_67 = vector.shape_cast %swap3A_66 : vector<16xf32> to vector<16xf32>
      %swap3A_68 = vector.shape_cast %bitcast_convert_type3A : vector<16xf32> to vector<16xf32>
      tpu.vector_store %arg10[%swap3A], %swap3A_68 {strides = array<i32>} : memref<10112xf32, #tpu.memory_space<vmem>>, vector<16xf32>,
      %mul3A_69 = arith.constant 128 : i32
      %mul3A_70 = arith.muli %while3A_46, %mul3A_69 : i32
      %add3A_71 = arith.constant 16 : i32
      %add3A_72 = arith.addi %mul3A_70, %add3A_71 : i32
      %get3A_73 = arith.index_cast %add3A_72 : i32 to index
      %get3A_74 = tpu.vector_load %arg9[%get3A_73] {strides = array<i32>} : memref<10112xi32, #tpu.memory_space<vmem>>, vector<16xi32>,
      %get3A_75 = vector.shape_cast %get3A_74 : vector<16xi32> to vector<16xi32>
      %get3A_76 = arith.index_cast %add3A_72 : i32 to index
      %get3A_77 = tpu.vector_load %arg7[%get3A_76] {strides = array<i32>} : memref<10112xi32, #tpu.memory_space<vmem>>, vector<16xi32>,
      %get3A_78 = vector.shape_cast %get3A_77 : vector<16xi32> to vector<16xi32>
      %and3A_79 = arith.constant 128 : i32
      %and3A_80 = vector.broadcast %and3A_79 : i32 to vector<16xi32>
      %and3A_81 = arith.andi %get3A_78, %and3A_80 : vector<16xi32>
      %ne3A_82 = arith.constant 0 : i32
      %ne3A_83 = vector.broadcast %ne3A_82 : i32 to vector<16xi32>
      %ne3A_84 = arith.cmpi ne, %and3A_81, %ne3A_83 : vector<16xi32>
      %and3A_85 = arith.constant -65536 : i32
      %and3A_86 = vector.broadcast %and3A_85 : i32 to vector<16xi32>
      %and3A_87 = arith.andi %get3A_75, %and3A_86 : vector<16xi32>
      %shift_left3A_88 = arith.constant 16 : i32
      %shift_left3A_89 = vector.broadcast %shift_left3A_88 : i32 to vector<16xi32>
      %shift_left3A_90 = arith.shli %get3A_75, %shift_left3A_89 : vector<16xi32>
      %select_n3A_91 = arith.select %ne3A_84, %and3A_87, %shift_left3A_90 : vector<16xi1>, vector<16xi32>
      %bitcast_convert_type3A_92 = tpu.bitcast %select_n3A_91 : vector<16xi32> -> vector<16xf32>
      %swap3A_93 = arith.index_cast %add3A_72 : i32 to index
      %swap3A_94 = tpu.vector_load %arg10[%swap3A_93] {strides = array<i32>} : memref<10112xf32, #tpu.memory_space<vmem>>, vector<16xf32>,
      %swap3A_95 = vector.shape_cast %swap3A_94 : vector<16xf32> to vector<16xf32>
      %swap3A_96 = vector.shape_cast %bitcast_convert_type3A_92 : vector<16xf32> to vector<16xf32>
      tpu.vector_store %arg10[%swap3A_93], %swap3A_96 {strides = array<i32>} : memref<10112xf32, #tpu.memory_space<vmem>>, vector<16xf32>,
      %mul3A_97 = arith.constant 128 : i32
      %mul3A_98 = arith.muli %while3A_46, %mul3A_97 : i32
      %add3A_99 = arith.constant 32 : i32
      %add3A_100 = arith.addi %mul3A_98, %add3A_99 : i32
      %get3A_101 = arith.index_cast %add3A_100 : i32 to index
      %get3A_102 = tpu.vector_load %arg9[%get3A_101] {strides = array<i32>} : memref<10112xi32, #tpu.memory_space<vmem>>, vector<16xi32>,
      %get3A_103 = vector.shape_cast %get3A_102 : vector<16xi32> to vector<16xi32>
      %get3A_104 = arith.index_cast %add3A_100 : i32 to index
      %get3A_105 = tpu.vector_load %arg7[%get3A_104] {strides = array<i32>} : memref<10112xi32, #tpu.memory_space<vmem>>, vector<16xi32>,
      %get3A_106 = vector.shape_cast %get3A_105 : vector<16xi32> to vector<16xi32>
      %and3A_107 = arith.constant 128 : i32
      %and3A_108 = vector.broadcast %and3A_107 : i32 to vector<16xi32>
      %and3A_109 = arith.andi %get3A_106, %and3A_108 : vector<16xi32>
      %ne3A_110 = arith.constant 0 : i32
      %ne3A_111 = vector.broadcast %ne3A_110 : i32 to vector<16xi32>
      %ne3A_112 = arith.cmpi ne, %and3A_109, %ne3A_111 : vector<16xi32>
      %and3A_113 = arith.constant -65536 : i32
      %and3A_114 = vector.broadcast %and3A_113 : i32 to vector<16xi32>
      %and3A_115 = arith.andi %get3A_103, %and3A_114 : vector<16xi32>
      %shift_left3A_116 = arith.constant 16 : i32
      %shift_left3A_117 = vector.broadcast %shift_left3A_116 : i32 to vector<16xi32>
      %shift_left3A_118 = arith.shli %get3A_103, %shift_left3A_117 : vector<16xi32>
      %select_n3A_119 = arith.select %ne3A_112, %and3A_115, %shift_left3A_118 : vector<16xi1>, vector<16xi32>
      %bitcast_convert_type3A_120 = tpu.bitcast %select_n3A_119 : vector<16xi32> -> vector<16xf32>
      %swap3A_121 = arith.index_cast %add3A_100 : i32 to index
      %swap3A_122 = tpu.vector_load %arg10[%swap3A_121] {strides = array<i32>} : memref<10112xf32, #tpu.memory_space<vmem>>, vector<16xf32>,
      %swap3A_123 = vector.shape_cast %swap3A_122 : vector<16xf32> to vector<16xf32>
      %swap3A_124 = vector.shape_cast %bitcast_convert_type3A_120 : vector<16xf32> to vector<16xf32>
      tpu.vector_store %arg10[%swap3A_121], %swap3A_124 {strides = array<i32>} : memref<10112xf32, #tpu.memory_space<vmem>>, vector<16xf32>,
      %mul3A_125 = arith.constant 128 : i32
      %mul3A_126 = arith.muli %while3A_46, %mul3A_125 : i32
      %add3A_127 = arith.constant 48 : i32
      %add3A_128 = arith.addi %mul3A_126, %add3A_127 : i32
      %get3A_129 = arith.index_cast %add3A_128 : i32 to index
      %get3A_130 = tpu.vector_load %arg9[%get3A_129] {strides = array<i32>} : memref<10112xi32, #tpu.memory_space<vmem>>, vector<16xi32>,
      %get3A_131 = vector.shape_cast %get3A_130 : vector<16xi32> to vector<16xi32>
      %get3A_132 = arith.index_cast %add3A_128 : i32 to index
      %get3A_133 = tpu.vector_load %arg7[%get3A_132] {strides = array<i32>} : memref<10112xi32, #tpu.memory_space<vmem>>, vector<16xi32>,
      %get3A_134 = vector.shape_cast %get3A_133 : vector<16xi32> to vector<16xi32>
      %and3A_135 = arith.constant 128 : i32
      %and3A_136 = vector.broadcast %and3A_135 : i32 to vector<16xi32>
      %and3A_137 = arith.andi %get3A_134, %and3A_136 : vector<16xi32>
      %ne3A_138 = arith.constant 0 : i32
      %ne3A_139 = vector.broadcast %ne3A_138 : i32 to vector<16xi32>
      %ne3A_140 = arith.cmpi ne, %and3A_137, %ne3A_139 : vector<16xi32>
      %and3A_141 = arith.constant -65536 : i32
      %and3A_142 = vector.broadcast %and3A_141 : i32 to vector<16xi32>
      %and3A_143 = arith.andi %get3A_131, %and3A_142 : vector<16xi32>
      %shift_left3A_144 = arith.constant 16 : i32
      %shift_left3A_145 = vector.broadcast %shift_left3A_144 : i32 to vector<16xi32>
      %shift_left3A_146 = arith.shli %get3A_131, %shift_left3A_145 : vector<16xi32>
      %select_n3A_147 = arith.select %ne3A_140, %and3A_143, %shift_left3A_146 : vector<16xi1>, vector<16xi32>
      %bitcast_convert_type3A_148 = tpu.bitcast %select_n3A_147 : vector<16xi32> -> vector<16xf32>
      %swap3A_149 = arith.index_cast %add3A_128 : i32 to index
      %swap3A_150 = tpu.vector_load %arg10[%swap3A_149] {strides = array<i32>} : memref<10112xf32, #tpu.memory_space<vmem>>, vector<16xf32>,
      %swap3A_151 = vector.shape_cast %swap3A_150 : vector<16xf32> to vector<16xf32>
      %swap3A_152 = vector.shape_cast %bitcast_convert_type3A_148 : vector<16xf32> to vector<16xf32>
      tpu.vector_store %arg10[%swap3A_149], %swap3A_152 {strides = array<i32>} : memref<10112xf32, #tpu.memory_space<vmem>>, vector<16xf32>,
      %mul3A_153 = arith.constant 128 : i32
      %mul3A_154 = arith.muli %while3A_46, %mul3A_153 : i32
      %add3A_155 = arith.constant 64 : i32
      %add3A_156 = arith.addi %mul3A_154, %add3A_155 : i32
      %get3A_157 = arith.index_cast %add3A_156 : i32 to index
      %get3A_158 = tpu.vector_load %arg9[%get3A_157] {strides = array<i32>} : memref<10112xi32, #tpu.memory_space<vmem>>, vector<16xi32>,
      %get3A_159 = vector.shape_cast %get3A_158 : vector<16xi32> to vector<16xi32>
      %get3A_160 = arith.index_cast %add3A_156 : i32 to index
      %get3A_161 = tpu.vector_load %arg7[%get3A_160] {strides = array<i32>} : memref<10112xi32, #tpu.memory_space<vmem>>, vector<16xi32>,
      %get3A_162 = vector.shape_cast %get3A_161 : vector<16xi32> to vector<16xi32>
      %and3A_163 = arith.constant 128 : i32
      %and3A_164 = vector.broadcast %and3A_163 : i32 to vector<16xi32>
      %and3A_165 = arith.andi %get3A_162, %and3A_164 : vector<16xi32>
      %ne3A_166 = arith.constant 0 : i32
      %ne3A_167 = vector.broadcast %ne3A_166 : i32 to vector<16xi32>
      %ne3A_168 = arith.cmpi ne, %and3A_165, %ne3A_167 : vector<16xi32>
      %and3A_169 = arith.constant -65536 : i32
      %and3A_170 = vector.broadcast %and3A_169 : i32 to vector<16xi32>
      %and3A_171 = arith.andi %get3A_159, %and3A_170 : vector<16xi32>
      %shift_left3A_172 = arith.constant 16 : i32
      %shift_left3A_173 = vector.broadcast %shift_left3A_172 : i32 to vector<16xi32>
      %shift_left3A_174 = arith.shli %get3A_159, %shift_left3A_173 : vector<16xi32>
      %select_n3A_175 = arith.select %ne3A_168, %and3A_171, %shift_left3A_174 : vector<16xi1>, vector<16xi32>
      %bitcast_convert_type3A_176 = tpu.bitcast %select_n3A_175 : vector<16xi32> -> vector<16xf32>
      %swap3A_177 = arith.index_cast %add3A_156 : i32 to index
      %swap3A_178 = tpu.vector_load %arg10[%swap3A_177] {strides = array<i32>} : memref<10112xf32, #tpu.memory_space<vmem>>, vector<16xf32>,
      %swap3A_179 = vector.shape_cast %swap3A_178 : vector<16xf32> to vector<16xf32>
      %swap3A_180 = vector.shape_cast %bitcast_convert_type3A_176 : vector<16xf32> to vector<16xf32>
      tpu.vector_store %arg10[%swap3A_177], %swap3A_180 {strides = array<i32>} : memref<10112xf32, #tpu.memory_space<vmem>>, vector<16xf32>,
      %mul3A_181 = arith.constant 128 : i32
      %mul3A_182 = arith.muli %while3A_46, %mul3A_181 : i32
      %add3A_183 = arith.constant 80 : i32
      %add3A_184 = arith.addi %mul3A_182, %add3A_183 : i32
      %get3A_185 = arith.index_cast %add3A_184 : i32 to index
      %get3A_186 = tpu.vector_load %arg9[%get3A_185] {strides = array<i32>} : memref<10112xi32, #tpu.memory_space<vmem>>, vector<16xi32>,
      %get3A_187 = vector.shape_cast %get3A_186 : vector<16xi32> to vector<16xi32>
      %get3A_188 = arith.index_cast %add3A_184 : i32 to index
      %get3A_189 = tpu.vector_load %arg7[%get3A_188] {strides = array<i32>} : memref<10112xi32, #tpu.memory_space<vmem>>, vector<16xi32>,
      %get3A_190 = vector.shape_cast %get3A_189 : vector<16xi32> to vector<16xi32>
      %and3A_191 = arith.constant 128 : i32
      %and3A_192 = vector.broadcast %and3A_191 : i32 to vector<16xi32>
      %and3A_193 = arith.andi %get3A_190, %and3A_192 : vector<16xi32>
      %ne3A_194 = arith.constant 0 : i32
      %ne3A_195 = vector.broadcast %ne3A_194 : i32 to vector<16xi32>
      %ne3A_196 = arith.cmpi ne, %and3A_193, %ne3A_195 : vector<16xi32>
      %and3A_197 = arith.constant -65536 : i32
      %and3A_198 = vector.broadcast %and3A_197 : i32 to vector<16xi32>
      %and3A_199 = arith.andi %get3A_187, %and3A_198 : vector<16xi32>
      %shift_left3A_200 = arith.constant 16 : i32
      %shift_left3A_201 = vector.broadcast %shift_left3A_200 : i32 to vector<16xi32>
      %shift_left3A_202 = arith.shli %get3A_187, %shift_left3A_201 : vector<16xi32>
      %select_n3A_203 = arith.select %ne3A_196, %and3A_199, %shift_left3A_202 : vector<16xi1>, vector<16xi32>
      %bitcast_convert_type3A_204 = tpu.bitcast %select_n3A_203 : vector<16xi32> -> vector<16xf32>
      %swap3A_205 = arith.index_cast %add3A_184 : i32 to index
      %swap3A_206 = tpu.vector_load %arg10[%swap3A_205] {strides = array<i32>} : memref<10112xf32, #tpu.memory_space<vmem>>, vector<16xf32>,
      %swap3A_207 = vector.shape_cast %swap3A_206 : vector<16xf32> to vector<16xf32>
      %swap3A_208 = vector.shape_cast %bitcast_convert_type3A_204 : vector<16xf32> to vector<16xf32>
      tpu.vector_store %arg10[%swap3A_205], %swap3A_208 {strides = array<i32>} : memref<10112xf32, #tpu.memory_space<vmem>>, vector<16xf32>,
      %mul3A_209 = arith.constant 128 : i32
      %mul3A_210 = arith.muli %while3A_46, %mul3A_209 : i32
      %add3A_211 = arith.constant 96 : i32
      %add3A_212 = arith.addi %mul3A_210, %add3A_211 : i32
      %get3A_213 = arith.index_cast %add3A_212 : i32 to index
      %get3A_214 = tpu.vector_load %arg9[%get3A_213] {strides = array<i32>} : memref<10112xi32, #tpu.memory_space<vmem>>, vector<16xi32>,
      %get3A_215 = vector.shape_cast %get3A_214 : vector<16xi32> to vector<16xi32>
      %get3A_216 = arith.index_cast %add3A_212 : i32 to index
      %get3A_217 = tpu.vector_load %arg7[%get3A_216] {strides = array<i32>} : memref<10112xi32, #tpu.memory_space<vmem>>, vector<16xi32>,
      %get3A_218 = vector.shape_cast %get3A_217 : vector<16xi32> to vector<16xi32>
      %and3A_219 = arith.constant 128 : i32
      %and3A_220 = vector.broadcast %and3A_219 : i32 to vector<16xi32>
      %and3A_221 = arith.andi %get3A_218, %and3A_220 : vector<16xi32>
      %ne3A_222 = arith.constant 0 : i32
      %ne3A_223 = vector.broadcast %ne3A_222 : i32 to vector<16xi32>
      %ne3A_224 = arith.cmpi ne, %and3A_221, %ne3A_223 : vector<16xi32>
      %and3A_225 = arith.constant -65536 : i32
      %and3A_226 = vector.broadcast %and3A_225 : i32 to vector<16xi32>
      %and3A_227 = arith.andi %get3A_215, %and3A_226 : vector<16xi32>
      %shift_left3A_228 = arith.constant 16 : i32
      %shift_left3A_229 = vector.broadcast %shift_left3A_228 : i32 to vector<16xi32>
      %shift_left3A_230 = arith.shli %get3A_215, %shift_left3A_229 : vector<16xi32>
      %select_n3A_231 = arith.select %ne3A_224, %and3A_227, %shift_left3A_230 : vector<16xi1>, vector<16xi32>
      %bitcast_convert_type3A_232 = tpu.bitcast %select_n3A_231 : vector<16xi32> -> vector<16xf32>
      %swap3A_233 = arith.index_cast %add3A_212 : i32 to index
      %swap3A_234 = tpu.vector_load %arg10[%swap3A_233] {strides = array<i32>} : memref<10112xf32, #tpu.memory_space<vmem>>, vector<16xf32>,
      %swap3A_235 = vector.shape_cast %swap3A_234 : vector<16xf32> to vector<16xf32>
      %swap3A_236 = vector.shape_cast %bitcast_convert_type3A_232 : vector<16xf32> to vector<16xf32>
      tpu.vector_store %arg10[%swap3A_233], %swap3A_236 {strides = array<i32>} : memref<10112xf32, #tpu.memory_space<vmem>>, vector<16xf32>,
      %mul3A_237 = arith.constant 128 : i32
      %mul3A_238 = arith.muli %while3A_46, %mul3A_237 : i32
      %add3A_239 = arith.constant 112 : i32
      %add3A_240 = arith.addi %mul3A_238, %add3A_239 : i32
      %get3A_241 = arith.index_cast %add3A_240 : i32 to index
      %get3A_242 = tpu.vector_load %arg9[%get3A_241] {strides = array<i32>} : memref<10112xi32, #tpu.memory_space<vmem>>, vector<16xi32>,
      %get3A_243 = vector.shape_cast %get3A_242 : vector<16xi32> to vector<16xi32>
      %get3A_244 = arith.index_cast %add3A_240 : i32 to index
      %get3A_245 = tpu.vector_load %arg7[%get3A_244] {strides = array<i32>} : memref<10112xi32, #tpu.memory_space<vmem>>, vector<16xi32>,
      %get3A_246 = vector.shape_cast %get3A_245 : vector<16xi32> to vector<16xi32>
      %and3A_247 = arith.constant 128 : i32
      %and3A_248 = vector.broadcast %and3A_247 : i32 to vector<16xi32>
      %and3A_249 = arith.andi %get3A_246, %and3A_248 : vector<16xi32>
      %ne3A_250 = arith.constant 0 : i32
      %ne3A_251 = vector.broadcast %ne3A_250 : i32 to vector<16xi32>
      %ne3A_252 = arith.cmpi ne, %and3A_249, %ne3A_251 : vector<16xi32>
      %and3A_253 = arith.constant -65536 : i32
      %and3A_254 = vector.broadcast %and3A_253 : i32 to vector<16xi32>
      %and3A_255 = arith.andi %get3A_243, %and3A_254 : vector<16xi32>
      %shift_left3A_256 = arith.constant 16 : i32
      %shift_left3A_257 = vector.broadcast %shift_left3A_256 : i32 to vector<16xi32>
      %shift_left3A_258 = arith.shli %get3A_243, %shift_left3A_257 : vector<16xi32>
      %select_n3A_259 = arith.select %ne3A_252, %and3A_255, %shift_left3A_258 : vector<16xi1>, vector<16xi32>
      %bitcast_convert_type3A_260 = tpu.bitcast %select_n3A_259 : vector<16xi32> -> vector<16xf32>
      %swap3A_261 = arith.index_cast %add3A_240 : i32 to index
      %swap3A_262 = tpu.vector_load %arg10[%swap3A_261] {strides = array<i32>} : memref<10112xf32, #tpu.memory_space<vmem>>, vector<16xf32>,
      %swap3A_263 = vector.shape_cast %swap3A_262 : vector<16xf32> to vector<16xf32>
      %swap3A_264 = vector.shape_cast %bitcast_convert_type3A_260 : vector<16xf32> to vector<16xf32>
      tpu.vector_store %arg10[%swap3A_261], %swap3A_264 {strides = array<i32>} : memref<10112xf32, #tpu.memory_space<vmem>>, vector<16xf32>,
    }
    %run_scoped3A = arith.constant 0 : i32
    "tpu.region"() ({
      %run_scoped3A_46 = tpu.sem_alloc : memref<!tpu.dma_semaphore, #tpu.memory_space<semaphore_mem>>
      %dma_start3A = arith.constant 0 : i32
      %dma_start3A_47 = tpu.memref_slice %arg10[%dma_start3A] : memref<10112xf32, #tpu.memory_space<vmem>> -> memref<9984xf32, #tpu.memory_space<vmem>>
      %dma_start3A_48 = tpu.memref_slice %arg5[%run_scoped3A, %mul3A_8] : memref<1x320000xf32, #tpu.memory_space<hbm>> -> memref<1x9984xf32, #tpu.memory_space<hbm>>
      %dma_start3A_49 = tpu.memref_squeeze %dma_start3A_48 : memref<1x9984xf32, #tpu.memory_space<hbm>> -> memref<9984xf32, #tpu.memory_space<hbm>>
      %dma_start3A_50 = tpu.memref_slice %arg5[%run_scoped3A, %mul3A_8] : memref<1x320000xf32, #tpu.memory_space<hbm>> -> memref<1x9984xf32, #tpu.memory_space<hbm>>
      %dma_start3A_51 = tpu.memref_squeeze %dma_start3A_50 : memref<1x9984xf32, #tpu.memory_space<hbm>> -> memref<9984xf32, #tpu.memory_space<hbm>>
      %dma_start3A_52 = arith.constant 0 : i32
      %dma_start3A_53 = tpu.memref_slice %arg10[%dma_start3A_52] : memref<10112xf32, #tpu.memory_space<vmem>> -> memref<9984xf32, #tpu.memory_space<vmem>>
      tpu.enqueue_dma source(%dma_start3A_53 : memref<9984xf32, #tpu.memory_space<vmem>>) target(%dma_start3A_51 : memref<9984xf32, #tpu.memory_space<hbm>>) target_semaphore(%run_scoped3A_46 : memref<!tpu.dma_semaphore, #tpu.memory_space<semaphore_mem>>)
      %dma_wait3A_54 = arith.constant 0 : i32
      %dma_wait3A_55 = tpu.memref_slice %arg10[%dma_wait3A_54] : memref<10112xf32, #tpu.memory_space<vmem>> -> memref<9984xf32, #tpu.memory_space<vmem>>
      %dma_wait3A_56 = tpu.memref_slice %arg5[%run_scoped3A, %mul3A_8] : memref<1x320000xf32, #tpu.memory_space<hbm>> -> memref<1x9984xf32, #tpu.memory_space<hbm>>
      %dma_wait3A_57 = tpu.memref_squeeze %dma_wait3A_56 : memref<1x9984xf32, #tpu.memory_space<hbm>> -> memref<9984xf32, #tpu.memory_space<hbm>>
      %dma_wait3A_58 = tpu.memref_slice %arg5[%run_scoped3A, %mul3A_8] : memref<1x320000xf32, #tpu.memory_space<hbm>> -> memref<1x9984xf32, #tpu.memory_space<hbm>>
      %dma_wait3A_59 = tpu.memref_squeeze %dma_wait3A_58 : memref<1x9984xf32, #tpu.memory_space<hbm>> -> memref<9984xf32, #tpu.memory_space<hbm>>
      %dma_wait3A_60 = arith.constant 0 : i32
      %dma_wait3A_61 = tpu.memref_slice %arg10[%dma_wait3A_60] : memref<10112xf32, #tpu.memory_space<vmem>> -> memref<9984xf32, #tpu.memory_space<vmem>>
      tpu.wait_dma2 semaphore(%run_scoped3A_46 : memref<!tpu.dma_semaphore, #tpu.memory_space<semaphore_mem>>) src(%dma_wait3A_61 : memref<9984xf32, #tpu.memory_space<vmem>>) dst(%dma_wait3A_59 : memref<9984xf32, #tpu.memory_space<hbm>>)
      tpu.yield
    }) : () -> ()
    %lt3A_41 = arith.constant 4 : i32
    %lt3A_42 = arith.cmpi slt, %add3A, %lt3A_41 : i32
    %convert_element_type3A_43 = arith.extui %lt3A_42 : i1 to i32
    %cond3A_44 = arith.constant 0 : i32
    %cond3A_45 = arith.cmpi ne, %convert_element_type3A_43, %cond3A_44 : i32
    scf.if %cond3A_45 {
      %add3A_46 = arith.constant 9984 : i32
      %add3A_47 = arith.addi %mul3A_8, %add3A_46 : i32
      %run_scoped3A_48 = arith.constant 0 : i32
      "tpu.region"() ({
        %run_scoped3A_49 = tpu.sem_alloc : memref<!tpu.dma_semaphore, #tpu.memory_space<semaphore_mem>>
        %dma_start3A = arith.constant 9984 : i32
        %dma_start3A_50 = tpu.memref_slice %arg10[%dma_start3A] : memref<10112xf32, #tpu.memory_space<vmem>> -> memref<128xf32, #tpu.memory_space<vmem>>
        %dma_start3A_51 = tpu.memref_slice %arg5[%run_scoped3A_48, %add3A_47] : memref<1x320000xf32, #tpu.memory_space<hbm>> -> memref<1x128xf32, #tpu.memory_space<hbm>>
        %dma_start3A_52 = tpu.memref_squeeze %dma_start3A_51 : memref<1x128xf32, #tpu.memory_space<hbm>> -> memref<128xf32, #tpu.memory_space<hbm>>
        %dma_start3A_53 = tpu.memref_slice %arg5[%run_scoped3A_48, %add3A_47] : memref<1x320000xf32, #tpu.memory_space<hbm>> -> memref<1x128xf32, #tpu.memory_space<hbm>>
        %dma_start3A_54 = tpu.memref_squeeze %dma_start3A_53 : memref<1x128xf32, #tpu.memory_space<hbm>> -> memref<128xf32, #tpu.memory_space<hbm>>
        %dma_start3A_55 = arith.constant 9984 : i32
        %dma_start3A_56 = tpu.memref_slice %arg10[%dma_start3A_55] : memref<10112xf32, #tpu.memory_space<vmem>> -> memref<128xf32, #tpu.memory_space<vmem>>
        tpu.enqueue_dma source(%dma_start3A_56 : memref<128xf32, #tpu.memory_space<vmem>>) target(%dma_start3A_54 : memref<128xf32, #tpu.memory_space<hbm>>) target_semaphore(%run_scoped3A_49 : memref<!tpu.dma_semaphore, #tpu.memory_space<semaphore_mem>>)
        %dma_wait3A_57 = arith.constant 9984 : i32
        %dma_wait3A_58 = tpu.memref_slice %arg10[%dma_wait3A_57] : memref<10112xf32, #tpu.memory_space<vmem>> -> memref<128xf32, #tpu.memory_space<vmem>>
        %dma_wait3A_59 = tpu.memref_slice %arg5[%run_scoped3A_48, %add3A_47] : memref<1x320000xf32, #tpu.memory_space<hbm>> -> memref<1x128xf32, #tpu.memory_space<hbm>>
        %dma_wait3A_60 = tpu.memref_squeeze %dma_wait3A_59 : memref<1x128xf32, #tpu.memory_space<hbm>> -> memref<128xf32, #tpu.memory_space<hbm>>
        %dma_wait3A_61 = tpu.memref_slice %arg5[%run_scoped3A_48, %add3A_47] : memref<1x320000xf32, #tpu.memory_space<hbm>> -> memref<1x128xf32, #tpu.memory_space<hbm>>
        %dma_wait3A_62 = tpu.memref_squeeze %dma_wait3A_61 : memref<1x128xf32, #tpu.memory_space<hbm>> -> memref<128xf32, #tpu.memory_space<hbm>>
        %dma_wait3A_63 = arith.constant 9984 : i32
        %dma_wait3A_64 = tpu.memref_slice %arg10[%dma_wait3A_63] : memref<10112xf32, #tpu.memory_space<vmem>> -> memref<128xf32, #tpu.memory_space<vmem>>
        tpu.wait_dma2 semaphore(%run_scoped3A_49 : memref<!tpu.dma_semaphore, #tpu.memory_space<semaphore_mem>>) src(%dma_wait3A_64 : memref<128xf32, #tpu.memory_space<vmem>>) dst(%dma_wait3A_62 : memref<128xf32, #tpu.memory_space<hbm>>)
        tpu.yield
      }) : () -> ()
    } else {
    }
    return
  }
}

module attributes {stable_mosaic.version = 14 : i64} {
  func.func @body(%arg0: i32, %arg1: memref<10000x128xf32, #tpu.memory_space<vmem>>, %arg2: memref<256x128xf32, #tpu.memory_space<vmem>>, %arg3: memref<1x10000x128xi32, #tpu.memory_space<vmem>>) attributes {dimension_semantics = [#tpu.dimension_semantics<arbitrary>], iteration_bounds = array<i64: 4>, scalar_prefetch = 0 : i64, scratch_operands = 0 : i64, tpu.core_type = #tpu.core_type<tc>, window_params = [{pipeline_mode = #tpu.pipeline_mode<synchronous>, transform_indices = @transform_0, window_bounds = array<i64: 10000, 128>}, {transform_indices = @transform_1, window_bounds = array<i64: 256, 128>}, {transform_indices = @transform_2, window_bounds = array<i64: 1, 10000, 128>}]} {
    %get3A = arith.constant 0 : index
    %get3A_0 = arith.constant 0 : index
    %get3A_1 = vector.load %arg1[%get3A, %get3A_0] : memref<10000x128xf32, #tpu.memory_space<vmem>>, vector<10000x128xf32>
    %get3A_2 = arith.constant 0 : index
    %get3A_3 = arith.constant 0 : index
    %get3A_4 = vector.load %arg2[%get3A_2, %get3A_3] : memref<256x128xf32, #tpu.memory_space<vmem>>, vector<128x128xf32>
    %dot_general3A = arith.constant dense<0.000000e+00> : vector<10000x128xf32>
    %dot_general3A_5 = tpu.matmul %get3A_1, %get3A_4, %dot_general3A {dimension_numbers = #tpu.dot_dimension_numbers<[1], [1], [0], [0], [0, 0, 1, 0], [], []>, transpose_lhs_hint = false} : vector<10000x128xf32>, vector<128x128xf32>, vector<10000x128xf32> -> vector<10000x128xf32>
    %get3A_6 = arith.constant 128 : index
    %get3A_7 = arith.constant 0 : index
    %get3A_8 = vector.load %arg2[%get3A_6, %get3A_7] : memref<256x128xf32, #tpu.memory_space<vmem>>, vector<128x128xf32>
    %dot_general3A_9 = arith.constant dense<0.000000e+00> : vector<10000x128xf32>
    %dot_general3A_10 = tpu.matmul %get3A_1, %get3A_8, %dot_general3A_9 {dimension_numbers = #tpu.dot_dimension_numbers<[1], [1], [0], [0], [0, 0, 1, 0], [], []>, transpose_lhs_hint = false} : vector<10000x128xf32>, vector<128x128xf32>, vector<10000x128xf32> -> vector<10000x128xf32>
    %bitcast_convert_type3A = tpu.bitcast %dot_general3A_5 : vector<10000x128xf32> -> vector<10000x128xi32>
    %bitcast_convert_type3A_11 = tpu.bitcast %dot_general3A_10 : vector<10000x128xf32> -> vector<10000x128xi32>
    %add3A = arith.constant 32768 : i32
    %add3A_12 = vector.broadcast %add3A : i32 to vector<10000x128xi32>
    %add3A_13 = arith.addi %bitcast_convert_type3A, %add3A_12 : vector<10000x128xi32>
    %shift_right_logical3A = arith.constant 16 : i32
    %shift_right_logical3A_14 = vector.broadcast %shift_right_logical3A : i32 to vector<10000x128xi32>
    %shift_right_logical3A_15 = arith.shrui %add3A_13, %shift_right_logical3A_14 : vector<10000x128xi32>
    %add3A_16 = arith.constant 32768 : i32
    %add3A_17 = vector.broadcast %add3A_16 : i32 to vector<10000x128xi32>
    %add3A_18 = arith.addi %bitcast_convert_type3A_11, %add3A_17 : vector<10000x128xi32>
    %and3A = arith.constant -65536 : i32
    %and3A_19 = vector.broadcast %and3A : i32 to vector<10000x128xi32>
    %and3A_20 = arith.andi %add3A_18, %and3A_19 : vector<10000x128xi32>
    %or3A = arith.ori %shift_right_logical3A_15, %and3A_20 : vector<10000x128xi32>
    %bitcast_convert_type3A_21 = tpu.bitcast %or3A : vector<10000x128xi32> -> vector<10000x128xi32>
    %broadcast_in_dim3A = vector.shape_cast %bitcast_convert_type3A_21 : vector<10000x128xi32> to vector<1x10000x128xi32>
    %swap3A = arith.constant 0 : index
    %swap3A_22 = arith.constant 0 : index
    %swap3A_23 = arith.constant 0 : index
    %swap3A_24 = vector.load %arg3[%swap3A, %swap3A_22, %swap3A_23] : memref<1x10000x128xi32, #tpu.memory_space<vmem>>, vector<1x10000x128xi32>
    tpu.vector_store %arg3[%swap3A, %swap3A_22, %swap3A_23], %broadcast_in_dim3A {strides = array<i32>} : memref<1x10000x128xi32, #tpu.memory_space<vmem>>, vector<1x10000x128xi32>,
    return
  }
  func.func @transform_0(%arg0: i32) -> (i32, i32) {
    %c0_i32 = arith.constant 0 : i32
    %c0_i32_0 = arith.constant 0 : i32
    %c0_i32_1 = arith.constant 0 : i32
    return %c0_i32, %c0_i32_0 : i32, i32
  }
  func.func @transform_1(%arg0: i32) -> (i32, i32) {
    %c0_i32 = arith.constant 0 : i32
    %c0_i32_0 = arith.constant 0 : i32
    return %arg0, %c0_i32 : i32, i32
  }
  func.func @transform_2(%arg0: i32) -> (i32, i32, i32) {
    %c0_i32 = arith.constant 0 : i32
    %c0_i32_0 = arith.constant 0 : i32
    %c0_i32_1 = arith.constant 0 : i32
    return %arg0, %c0_i32, %c0_i32_0 : i32, i32, i32
  }
}

</mosaic_0001>

<sc_bundles>
// kernel: kernel.4.cloned.1.call-start
scs
__scs_entry_jumppad:
0x0: {  	(pc) =	sbr.rel $0x88, $3  }
0x1: {  	(tag) =	ssettag $0x0;
	lr =	simm.s32 $0x1  }
0x2: {  	[smem:$0x3F9D] =	sst lr;
	_ =	strace $0xD0000000  }
0x3: {  	_ = 	snop  }
0x4: {  	_ = 	snop  }
0x5: {  	_ = 	snop  }
0x6: {  	_ = 	snop  }
0x7: {  	_ = 	snop  }
__scs_overlays_trampoline_lowered:
0x8: {  	[smem:$0x3FAC] =	sst s0  }
0x9: {  	[smem:$0x3FAD] =	sst s1  }
0xa: {  	[smem:$0x3FAE] =	sst s2  }
0xb: {  	[smem:$0x3FAF] =	sst s3  }
0xc: {  	[smem:$0x3FB0] =	sst s4  }
0xd: {  	[smem:$0x3FB1] =	sst s5  }
0xe: {  	[smem:$0x3FB2] =	sst s6  }
0xf: {  	[smem:$0x3FB3] =	sst s7  }
0x10: {  	[smem:$0x3FB4] =	sst s8  }
0x11: {  	[smem:$0x3FB5] =	sst s9;
	s0 =	simm.s32 @!p0 $0x0  }
0x12: {  	s1 =	sld [smem:$0x3F9B];
	s0 =	simm.s32 @p0 $0x1  }
0x13: {  	[smem:$0x3FB6] =	sst s0;
	s0 =	simm.s32 @!p1 $0x0  }
0x14: {  	s2 =	sld [smem:$0x3F9A];
	s0 =	simm.s32 @p1 $0x1  }
0x15: {  	[smem:$0x3FB7] =	sst s0;
	s0 =	simm.s32 @!p2 $0x0  }
0x16: {  	s3 =	sld [smem:$0x3FDB];
	s0 =	simm.s32 @p2 $0x1  }
0x17: {  	s4 =	simm.s32 $0x1BF5;
	[smem:$0x3FB9] =	sst s0  }
0x18: {  	s0 =	sld [smem:$0x3F9C];
	_ =	swait.ge [sflag:s4], $0x0  }
0x19: {  	s7 =	sld [smem:$0x3F9D]  }
0x1a: {  	s8 =	sadd.s32 $0xFFFFE003, lr  }
0x1b: {  	s9 =	sadd.s32 $0xFFFFFEF7, lr;
	s5 =	simm.s32 $0xFFFFFFFF;
	p2 =	slt.u32 s8, $0xFFFFF086  }
0x1c: {  	p1 =	slt.u32 s9, $0xF7A;
	s5 =	simm.s32 @!p2 $0x0  }
0x1d: {  	s5 =	simm.s32 @p1 $0x1;
	p0 =	seq.s32 s7, s2  }
0x1e: {  	s7 =	smul.u32 @!p0 $0xF7A, s2;
	p2 =	seq.s32 @!p0 s5, $0x0  }
0x1f: {  	s9 =	smul.u32 $0xF7A, s1;
	s8 =	simm.s32 @!p0 $0x1BF5;
	p2 =	por !p2, p0  }
0x20: {  	[sflag:s8] =	ssyncset.s32 @!p0 $0xFFFFF086;
	s6 =	sadd.s32 @!p0 s3, s7;
	s7 =	simm.s32 @!p0 $0x108  }
0x21: {  	s3 =	sadd.s32 s3, s9;
	s6 =	sadd.s32 @!p0 $0x88, s6;
	s7 =	simm.s32 @p2 $0x1082  }
0x22: {  	[simem:s7], [sflag:s8] =	dma.local @!p0 [hbm:s6], $0xF7A  }
0x23: {  	s9 =	sor.u32 $0xD0000000, s2;
	s6 =	simm.s32 $0x108;
	_ =	swait.ge @!p0 [sflag:s8], $0x0  }
0x24: {  	s3 =	sadd.s32 $0x88, s3;
	s6 =	simm.s32 @!p1 $0x1082;
	[sflag:s4] =	ssyncset.s32 $0xFFFFF086  }
0x25: {  	[simem:s6], [sflag:s4] =	dma.local [hbm:s3], $0xF7A  }
0x26: {  	[smem:$0x3F9D] =	sst s1;
	(tag) =	ssettag s2;
	_ =	strace s9  }
0x27: {  	s1 =	sld [smem:$0x3FAD]  }
0x28: {  	s2 =	sld [smem:$0x3FAE]  }
0x29: {  	s4 =	sld [smem:$0x3FB0]  }
0x2a: {  	p0 =	seq.s32 s5, $0x0;
	s5 =	sld [smem:$0x3FB1]  }
0x2b: {  	s6 =	sld [smem:$0x3FB2]  }
0x2c: {  	s7 =	sld [smem:$0x3FB3]  }
0x2d: {  	s3 =	simm.s32 $0x108;
	s8 =	sld [smem:$0x3FB4]  }
0x2e: {  	s3 =	simm.s32 @!p0 $0x1082;
	s9 =	sld [smem:$0x3FB5]  }
0x2f: {  	lr =	sadd.s32 s0, s3;
	s0 =	sld [smem:$0x3FAC]  }
0x30: {  	s3 =	sld [smem:$0x3FAF]  }
0x31: {  	[smem:$0x3FB8] =	sst s10  }
0x32: {  	s10 =	sld [smem:$0x3FB6];
	_ =	sdelay $0x3  }
0x33: {  	p0 =	seq.s32 s10, $0x1;
	s10 =	sld [smem:$0x3FB8];
	_ =	sdelay $0x3  }
0x34: {  	[smem:$0x3FB8] =	sst s10  }
0x35: {  	s10 =	sld [smem:$0x3FB7];
	_ =	sdelay $0x3  }
0x36: {  	p1 =	seq.s32 s10, $0x1;
	s10 =	sld [smem:$0x3FB8];
	_ =	sdelay $0x3  }
0x37: {  	[smem:$0x3FB8] =	sst s10  }
0x38: {  	s10 =	sld [smem:$0x3FB9]  }
0x39: {  	_ = 	snop;
	(pc) =	sbr.ind lr, $3  }
0x3a: {  	_ = 	snop  }
0x3b: {  	_ = 	snop  }
0x3c: {  	p2 =	seq.s32 s10, $0x1;
	s10 =	sld [smem:$0x3FB8]  }
0x3d: {  	_ =	shalt  }
0x3e: {  	_ =	shalt  }
0x3f: {  	_ =	shalt  }
0x40: {  	_ =	shalt  }
0x41: {  	_ =	shalt  }
0x42: {  	_ =	shalt  }
0x43: {  	_ =	shalt  }
0x44: {  	_ =	shalt  }
0x45: {  	_ =	shalt  }
0x46: {  	_ =	shalt  }
0x47: {  	_ =	shalt  }
0x48: {  	_ =	shalt  }
0x49: {  	_ =	shalt  }
0x4a: {  	_ =	shalt  }
0x4b: {  	_ =	shalt  }
0x4c: {  	_ =	shalt  }
0x4d: {  	_ =	shalt  }
0x4e: {  	_ =	shalt  }
0x4f: {  	_ =	shalt  }
0x50: {  	_ =	shalt  }
0x51: {  	_ =	shalt  }
0x52: {  	_ =	shalt  }
0x53: {  	_ =	shalt  }
0x54: {  	_ =	shalt  }
0x55: {  	_ =	shalt  }
0x56: {  	_ =	shalt  }
0x57: {  	_ =	shalt  }
0x58: {  	_ =	shalt  }
0x59: {  	_ =	shalt  }
0x5a: {  	_ =	shalt  }
0x5b: {  	_ =	shalt  }
0x5c: {  	_ =	shalt  }
0x5d: {  	_ =	shalt  }
0x5e: {  	_ =	shalt  }
0x5f: {  	_ =	shalt  }
0x60: {  	_ =	shalt  }
0x61: {  	_ =	shalt  }
0x62: {  	_ =	shalt  }
0x63: {  	_ =	shalt  }
0x64: {  	_ =	shalt  }
0x65: {  	_ =	shalt  }
0x66: {  	_ =	shalt  }
0x67: {  	_ =	shalt  }
0x68: {  	_ =	shalt  }
0x69: {  	_ =	shalt  }
0x6a: {  	_ =	shalt  }
0x6b: {  	_ =	shalt  }
0x6c: {  	_ =	shalt  }
0x6d: {  	_ =	shalt  }
0x6e: {  	_ =	shalt  }
0x6f: {  	_ =	shalt  }
0x70: {  	_ =	shalt  }
0x71: {  	_ =	shalt  }
0x72: {  	_ =	shalt  }
0x73: {  	_ =	shalt  }
0x74: {  	_ =	shalt  }
0x75: {  	_ =	shalt  }
0x76: {  	_ =	shalt  }
0x77: {  	_ =	shalt  }
0x78: {  	_ =	shalt  }
0x79: {  	_ =	shalt  }
0x7a: {  	_ =	shalt  }
0x7b: {  	_ =	shalt  }
0x7c: {  	_ =	shalt  }
0x7d: {  	_ =	shalt  }
0x7e: {  	_ =	shalt  }
0x7f: {  	_ =	shalt  }
0x80: {  	_ =	shalt  }
0x81: {  	_ =	shalt  }
0x82: {  	_ =	shalt  }
0x83: {  	_ =	shalt  }
0x84: {  	_ =	shalt  }
0x85: {  	_ =	shalt  }
0x86: {  	_ =	shalt  }
0x87: {  	_ =	shalt  }
.Lfunc_end0:
.L_simem_size_0:
called_computation_lowered:
.L_overlay_start_0:
0x88: {  	s2 =	sld [smem:$0x3FD9]  }
0x89: {  	s3 =	sld [smem:$0x3FFE];
	_ =	sdelay $0x1  }
0x8a: {  	s1 =	srdreg.scid  }
0x8b: {  	s0 =	sand.u32 $0x1, s1  }
0x8c: {  	s17 =	sshll.u32 s0, $0xA;
	s2 =	sadd.s32 s3, s2  }
0x8d: {  	s2 =	sadd.s32 s2, s17  }
0x8e: {  	[smem:$0x3FC4] =	sst s2  }
0x8f: {  	_ = 	snop  }
0x90: {  	s2 =	sld [smem:$0x3FC7]  }
0x91: {  	s18 =	sld [smem:$0x3FC6]  }
0x92: {  	s4 =	sld [smem:$0x3FD0];
	(tm) =	ssettm $0x1  }
0x93: {  	s5 =	sld [smem:$0x3FFB];
	_ =	sdelay $0x3  }
0x94: {  	_ =	strace s5  }
0x95: {  	s5 =	sld [smem:$0x3FFC];
	_ =	sdelay $0x3  }
0x96: {  	_ =	strace s5  }
0x97: {  	s5 =	sld [smem:$0x3FFD];
	_ =	sdelay $0x3  }
0x98: {  	_ =	strace s5  }
0x99: {  	_ =	strace $0x8FFFFFFF  }
0x9a: {  	s19 =	sld [smem:$0x3FDB];
	_ =	sdelay $0x1  }
0x9b: {  	s6 =	simm.s32 $_scs_section_size  }
0x9c: {  	s7 =	simm.s32 $_size__tile_overlayer_lowered;
	s8 =	simm.s32 $_tile_overlayer_lowered  }
0x9d: {  	s22 =	simm.s32 $0x1BFF;
	s21 =	sshll.u32 s8, $0x1;
	s5 =	sadd.s32 s6, s19  }
0x9e: {  	s9 =	simm.s32 $0x0;
	s20 =	sshll.u32 s7, $0x1;
	s7 =	sadd.s32 s21, s5  }
0x9f: {  	[timem:s9], [sflag:s22] =	dma.local [hbm:s7], s20  }
0xa0: {  	_ =	swait.ge [sflag:s22], s20  }
0xa1: {  	s6 =	ssub.s32 $0x0, s20;
	[sflag:s22] =	ssyncset.done $0x0  }
0xa2: {  	[sflag:s22] =	ssyncadd.s32 s6;
	_ =	sdelay $0x1  }
0xa3: {  	s23 =	simm.s32 $0x1B8B  }
0xa4: {  	_ =	swait.ge [sflag:s23], $0x1  }
0xa5: {  	[sflag:s23] =	ssyncset.done $0x0  }
0xa6: {  	s25 =	simm.s32 $0x1B8E;
	s24 =	sld [smem:$0x3FFE];
	[sflag:s23] =	ssyncadd.s32 $0xFFFFFFFF  }
0xa7: {  	s26 =	simm.s32 $execute0_lowered;
	[smem:$0x3FD2] =	sst s25  }
0xa8: {  	s7 =	sshll.u32 s26, $0x1;
	_ =	strace $0x80000046;
	[dreg:$0x1] =	wrdreg $0xFFFFFFFF  }
0xa9: {  	s28 =	simm.s32 $_size_execute0_lowered;
	s5 =	sadd.s32 s5, s7;
	[dreg:$0x0] =	wrdreg $0x0  }
0xaa: {  	s7 =	sshll.u32 s28, $0x1;
	[dreg:$0x2] =	wrdreg s5  }
0xab: {  	[dreg:$0x3] =	wrdreg s7  }
0xac: {  	[dreg:$0x4] =	wrdreg $0xC0  }
0xad: {  	_ =	task [dreg:s9], $0x5FFFF  }
0xae: {  	[dreg:$0x1] =	wrdreg $0xFFFFFFFF  }
0xaf: {  	[dreg:$0x0] =	wrdreg $0x60  }
0xb0: {  	[dreg:$0x2] =	wrdreg s24  }
0xb1: {  	[dreg:$0x3] =	wrdreg s2  }
0xb2: {  	[dreg:$0x4] =	wrdreg s18  }
0xb3: {  	[dreg:$0x5] =	wrdreg s4  }
0xb4: {  	[dreg:$0x6] =	wrdreg $0x9  }
0xb5: {  	_ =	task.clear_ibuf [dreg:s9], $0x7FFFF;
	_ =	strace $0x90000046  }
0xb6: {  	s29 =	simm.s32 $0x9;
	_ =	strace $0x80000048  }
0xb7: {  	_ =	swait.ge [sflag:s29], $0x1  }
0xb8: {  	[sflag:s29] =	ssyncadd.s32 $0xFFFFFFFF  }
0xb9: {  	_ =	strace $0x90000048  }
0xba: {  	_ =	sfence  }
0xbb: {  	s30 =	sld [smem:$0x0];
	_ =	sdelay $0x2  }
0xbc: {  	s31 =	sshll.u32 s1, $0xD;
	s1 =	sshrl.u32 s1, $0x2  }
0xbd: {  	s3 =	sand.u32 $0x4000, s31;
	s1 =	sadd.s32 s1, s30  }
0xbe: {  	s0 =	sor.u32 s3, s0;
	s1 =	sshll.u32 s1, $0x11  }
0xbf: {  	s0 =	sor.u32 s1, s0  }
0xc0: {  	s0 =	sadd.s32 $0x8F2B, s0  }
0xc1: {  	[sflag:s0] =	ssyncadd.remote.s32 $0x1  }
0xc2: {  	_ =	sfence.sel $0xFFFF  }
0xc3: {  	[dreg:$0x0] =	wrdreg $0xFFFFFFFF;
	(pc) =	sbr.abs _section_cstart, $3  }
0xc4: {  	[dreg:$0x1] =	wrdreg $0xFFFFFFFF  }
0xc5: {  	_ =	task.clear_ibuf [dreg:s9], $0x2FFFF;
	_ =	strace $0x9FFFFFFF  }
0xc6: {  	(tm) =	ssettm $0x7FFFFFFF  }
0xc7: {  	_ =	shalt  }
tec
execute0_lowered:
.L_overlay_start_1:
0x0: {  	(tag) =	ssettag $0x1  }
0x1: {  	s3 =	rddreg [dreg:$0x0]  }
0x2: {  	s7 =	rddreg [dreg:$0x1]  }
0x3: {  	s8 =	rddreg [dreg:$0x2]  }
0x4: {  	s10 =	rddreg [dreg:$0x3]  }
0x5: {  	s0 =	rddreg [dreg:$0x4];
	s4 =	srdreg.scid  }
0x6: {  	s1 =	stileid.u32;
	s2 =	simm.s32 $0x0;
	s13 =	simm.s32 $0x2780  }
0x7: {  	s14 =	simm.s32 $0x80;
	s15 =	simm.s32 $0x1;
	s16 =	simm.s32 $0x9E80  }
0x8: {  	s17 =	simm.s32 $0x0;
	s4 =	sand.u32 $0x1, s4;
	s5 =	sshll.u32 s1, $0x1  }
0x9: {  	[smem:$0x7FF] =	sst s2;
	s3 =	sadd.s32 $0x600, s3;
	s5 =	sor.u32 s4, s5  }
0xa: {  	p0 =	slt.u32 s1, $0x2;
	_ =	strace $0x80000047;
	s9 =	smul.u32 $0x4E, s5  }
0xb: {  	s6 =	ssub.s32 $0x2, s4;
	s4 =	simm.s32 $0x4F;
	s5 =	smin.u32 s5, $0x4  }
0xc: {  	s11 =	sshrl.u32 s6, $0x1;
	s4 =	simm.s32 @!p0 $0x4E;
	s5 =	sadd.s32 s5, s9  }
0xd: {  	p0 =	sgt.u32 s1, $0x1;
	s11 =	ssub.s32 s6, s11;
	s9 =	sshll.u32 s5, $0x4  }
0xe: {  	s11 =	smax.u32 s11, $0x1;
	s5 =	sadd.s32 s7, s9;
	s12 =	sadd.s32 $0x4E0, s9  }
0xf: {  	s6 =	sadd.s32 s8, s9;
	s9 =	sadd.s32 s10, s9;
	s7 =	sadd.s32 s7, s12  }
0x10: {  	s8 =	sadd.s32 s8, s12;
	s10 =	sadd.s32 s10, s12;
	s12 =	simm.s32 $0x2  }
.LBB2_1:
0x11: {  	[tilespmem:s2], [sflag:$0x2] =	stream.linear.gather [hbm4b:s5+s2], $0x2700, $0x38;
	[tilespmem:$0xC600] =	vst v63  }
0x12: {  	_ =	swait.ge [sflag:s12], $0x2700  }
0x13: {  	[sflag:s12] =	ssyncset.done $0x0  }
0x14: {  	[sflag:s12] =	ssyncadd.s32 $0xFFFFD900  }
0x15: {  	[tilespmem:s13], [sflag:$0x2] =	stream.linear.gather [hbm4b:s6+s2], $0x2700, $0x38;
	[tilespmem:$0xC600] =	vst v63  }
0x16: {  	_ =	swait.ge [sflag:s12], $0x2700  }
0x17: {  	[sflag:s12] =	ssyncset.done $0x0  }
0x18: {  	s18 =	simm.s32 @!p0 $0x0;
	s19 =	simm.s32 @!p0 $0x2700;
	[sflag:s12] =	ssyncadd.s32 $0xFFFFD900  }
0x19: {  	[tilespmem:s19], [sflag:$0x2] =	stream.linear.gather @!p0 [hbm4b:s7+s18], $0x80, $0x38;
	[tilespmem:$0xC600] =	vst v63  }
0x1a: {  	s19 =	simm.s32 @!p0 $0x2  }
0x1b: {  	_ =	swait.ge @!p0 [sflag:s19], $0x80  }
0x1c: {  	[sflag:s19] =	ssyncset.done @!p0 $0x0  }
0x1d: {  	s20 =	simm.s32 @!p0 $0x4E80;
	[sflag:s19] =	ssyncadd.s32 @!p0 $0xFFFFFF80  }
0x1e: {  	[tilespmem:s20], [sflag:$0x2] =	stream.linear.gather @!p0 [hbm4b:s8+s18], $0x80, $0x38;
	[tilespmem:$0xC600] =	vst v63  }
0x1f: {  	_ =	swait.ge @!p0 [sflag:s19], $0x80  }
0x20: {  	[sflag:s19] =	ssyncset.done @!p0 $0x0  }
0x21: {  	s18 =	simm.s32 $0x27C0;
	[sflag:s19] =	ssyncadd.s32 @!p0 $0xFFFFFF80  }
0x22: {  	v0 =	vld [tilespmem:s18+$0xFFFFFFC0]  }
0x23: {  	s31 =	simm.s32 $0x40  }
0x24: {  	v1 =	vld [tilespmem:s31+$0xFFFFFFC0];
	_ =	sdelay $0x2  }
0x25: {  	v2 =	vshrl.u32 v0, $0x8  }
0x26: {  	v2 =	vmul.u32 $0x138800, v2  }
0x27: {  	v1 =	vshll.u32 v1, $0x7  }
0x28: {  	v0 =	vand.u32 $0x7F, v0;
	v1 =	vadd.s32 v1, v2  }
0x29: {  	s19 =	simm.s32 $0x4F00;
	v0 =	vor.u32 v0, v1  }
0x2a: {  	[tilespmem:s19+$0x0] =	vst v0  }
0x2b: {  	v0 =	vld [tilespmem:s18+$0xFFFFFFD0];
	_ =	sdelay $0x1  }
0x2c: {  	v50 =	vld [tilespmem:s31+$0xFFFFFFD0];
	_ =	sdelay $0x2  }
0x2d: {  	v51 =	vshrl.u32 v0, $0x8  }
0x2e: {  	v2 =	vmul.u32 $0x138800, v51  }
0x2f: {  	v1 =	vshll.u32 v50, $0x7  }
0x30: {  	v0 =	vand.u32 $0x7F, v0;
	v1 =	vadd.s32 v1, v2  }
0x31: {  	v0 =	vor.u32 v0, v1  }
0x32: {  	[tilespmem:s19+$0x10] =	vst v0  }
0x33: {  	v0 =	vld [tilespmem:s18+$0xFFFFFFE0];
	_ =	sdelay $0x1  }
0x34: {  	v52 =	vld [tilespmem:s31+$0xFFFFFFE0];
	_ =	sdelay $0x2  }
0x35: {  	v53 =	vshrl.u32 v0, $0x8  }
0x36: {  	v2 =	vmul.u32 $0x138800, v53  }
0x37: {  	v1 =	vshll.u32 v52, $0x7  }
0x38: {  	v0 =	vand.u32 $0x7F, v0;
	v1 =	vadd.s32 v1, v2  }
0x39: {  	v0 =	vor.u32 v0, v1  }
0x3a: {  	[tilespmem:s19+$0x20] =	vst v0  }
0x3b: {  	v0 =	vld [tilespmem:s18+$0xFFFFFFF0];
	_ =	sdelay $0x1  }
0x3c: {  	v54 =	vld [tilespmem:s31+$0xFFFFFFF0];
	_ =	sdelay $0x2  }
0x3d: {  	v55 =	vshrl.u32 v0, $0x8  }
0x3e: {  	v2 =	vmul.u32 $0x138800, v55  }
0x3f: {  	v1 =	vshll.u32 v54, $0x7  }
0x40: {  	v0 =	vand.u32 $0x7F, v0;
	v1 =	vadd.s32 v1, v2  }
0x41: {  	v0 =	vor.u32 v0, v1  }
0x42: {  	[tilespmem:s19+$0x30] =	vst v0  }
0x43: {  	v0 =	vld [tilespmem:s18+$0x0];
	_ =	sdelay $0x1  }
0x44: {  	v56 =	vld [tilespmem:s31+$0x0];
	_ =	sdelay $0x2  }
0x45: {  	v57 =	vshrl.u32 v0, $0x8  }
0x46: {  	v2 =	vmul.u32 $0x138800, v57  }
0x47: {  	v1 =	vshll.u32 v56, $0x7  }
0x48: {  	v0 =	vand.u32 $0x7F, v0;
	v1 =	vadd.s32 v1, v2  }
0x49: {  	v0 =	vor.u32 v0, v1  }
0x4a: {  	[tilespmem:s19+$0x40] =	vst v0  }
0x4b: {  	v0 =	vld [tilespmem:s18+$0x10];
	_ =	sdelay $0x1  }
0x4c: {  	v58 =	vld [tilespmem:s31+$0x10];
	_ =	sdelay $0x2  }
0x4d: {  	v59 =	vshrl.u32 v0, $0x8  }
0x4e: {  	v2 =	vmul.u32 $0x138800, v59  }
0x4f: {  	v1 =	vshll.u32 v58, $0x7  }
0x50: {  	v0 =	vand.u32 $0x7F, v0;
	v1 =	vadd.s32 v1, v2  }
0x51: {  	v0 =	vor.u32 v0, v1  }
0x52: {  	[tilespmem:s19+$0x50] =	vst v0  }
0x53: {  	v0 =	vld [tilespmem:s18+$0x20];
	_ =	sdelay $0x1  }
0x54: {  	v60 =	vld [tilespmem:s31+$0x20];
	_ =	sdelay $0x2  }
0x55: {  	v61 =	vshrl.u32 v0, $0x8  }
0x56: {  	v2 =	vmul.u32 $0x138800, v61  }
0x57: {  	v1 =	vshll.u32 v60, $0x7  }
0x58: {  	v0 =	vand.u32 $0x7F, v0;
	v1 =	vadd.s32 v1, v2  }
0x59: {  	v0 =	vor.u32 v0, v1  }
0x5a: {  	[tilespmem:s19+$0x60] =	vst v0  }
0x5b: {  	v0 =	vld [tilespmem:s18+$0x30];
	_ =	sdelay $0x1  }
0x5c: {  	v62 =	vld [tilespmem:s31+$0x30];
	_ =	sdelay $0x2  }
0x5d: {  	p1 =	sne.s32 s4, $0x1;
	v63 =	vshrl.u32 v0, $0x8  }
.Ltmp0:
0x5e: {  	v2 =	vmul.u32 $0x138800, v63;
	(pc) =	sbr.rel @!p1 .LBB2_3-.Ltmp0, $4  }
0x5f: {  	v1 =	vshll.u32 v62, $0x7  }
0x60: {  	v0 =	vand.u32 $0x7F, v0;
	v1 =	vadd.s32 v1, v2  }
0x61: {  	s21 =	simm.s32 $0x7700;
	s22 =	simm.s32 $0xC0;
	s23 =	simm.s32 $0x4F80;
	v0 =	vor.u32 v0, v1  }
0x62: {  	s24 =	simm.s32 $0x7780;
	s25 =	simm.s32 $0x2840;
	s20 =	sadd.s32 $0xFFFFFFFF, s4;
	[tilespmem:s19+$0x70] =	vst v0  }
.LBB2_2:
0x63: {  	[tilespmem:s21], [sflag:$0x1] =	stream.indirect.gather [hbm4b:s3+s14], $0x1, s19, s14, $0xb8;
	[tilespmem:$0xC600] =	vst v63  }
0x64: {  	p2 =	sne.s32 s20, $0x1;
	s20 =	sadd.s32 $0xFFFFFFFF, s20;
	s19 =	smov.u32 s23;
	v0 =	vld [tilespmem:s25+$0xFFFFFFC0]  }
0x65: {  	s21 =	smov.u32 s24  }
0x66: {  	v1 =	vld [tilespmem:s22+$0xFFFFFFC0];
	_ =	sdelay $0x2  }
0x67: {  	v2 =	vshrl.u32 v0, $0x8  }
0x68: {  	v2 =	vmul.u32 $0x138800, v2  }
0x69: {  	v1 =	vshll.u32 v1, $0x7  }
0x6a: {  	v0 =	vand.u32 $0x7F, v0;
	v1 =	vadd.s32 v1, v2  }
0x6b: {  	v0 =	vor.u32 v0, v1  }
0x6c: {  	[tilespmem:s23+$0x0] =	vst v0  }
0x6d: {  	v0 =	vld [tilespmem:s25+$0xFFFFFFD0];
	_ =	sdelay $0x1  }
0x6e: {  	v1 =	vld [tilespmem:s22+$0xFFFFFFD0];
	_ =	sdelay $0x2  }
0x6f: {  	v2 =	vshrl.u32 v0, $0x8  }
0x70: {  	v2 =	vmul.u32 $0x138800, v2  }
0x71: {  	v1 =	vshll.u32 v1, $0x7  }
0x72: {  	v0 =	vand.u32 $0x7F, v0;
	v1 =	vadd.s32 v1, v2  }
0x73: {  	v0 =	vor.u32 v0, v1  }
0x74: {  	[tilespmem:s23+$0x10] =	vst v0  }
0x75: {  	v0 =	vld [tilespmem:s25+$0xFFFFFFE0];
	_ =	sdelay $0x1  }
0x76: {  	v1 =	vld [tilespmem:s22+$0xFFFFFFE0];
	_ =	sdelay $0x2  }
0x77: {  	v2 =	vshrl.u32 v0, $0x8  }
0x78: {  	v2 =	vmul.u32 $0x138800, v2  }
0x79: {  	v1 =	vshll.u32 v1, $0x7  }
0x7a: {  	v0 =	vand.u32 $0x7F, v0;
	v1 =	vadd.s32 v1, v2  }
0x7b: {  	v0 =	vor.u32 v0, v1  }
0x7c: {  	[tilespmem:s23+$0x20] =	vst v0  }
0x7d: {  	v0 =	vld [tilespmem:s25+$0xFFFFFFF0];
	_ =	sdelay $0x1  }
0x7e: {  	v1 =	vld [tilespmem:s22+$0xFFFFFFF0];
	_ =	sdelay $0x2  }
0x7f: {  	v2 =	vshrl.u32 v0, $0x8  }
0x80: {  	v2 =	vmul.u32 $0x138800, v2  }
0x81: {  	v1 =	vshll.u32 v1, $0x7  }
0x82: {  	v0 =	vand.u32 $0x7F, v0;
	v1 =	vadd.s32 v1, v2  }
0x83: {  	v0 =	vor.u32 v0, v1  }
0x84: {  	[tilespmem:s23+$0x30] =	vst v0  }
0x85: {  	v0 =	vld [tilespmem:s25+$0x0];
	_ =	sdelay $0x1  }
0x86: {  	v1 =	vld [tilespmem:s22+$0x0];
	_ =	sdelay $0x2  }
0x87: {  	v2 =	vshrl.u32 v0, $0x8  }
0x88: {  	v2 =	vmul.u32 $0x138800, v2  }
0x89: {  	v1 =	vshll.u32 v1, $0x7  }
0x8a: {  	v0 =	vand.u32 $0x7F, v0;
	v1 =	vadd.s32 v1, v2  }
0x8b: {  	v0 =	vor.u32 v0, v1  }
0x8c: {  	[tilespmem:s23+$0x40] =	vst v0  }
0x8d: {  	v0 =	vld [tilespmem:s25+$0x10]  }
0x8e: {  	v1 =	vld [tilespmem:s22+$0x10];
	_ =	sdelay $0x3  }
0x8f: {  	v2 =	vshrl.u32 v0, $0x8  }
0x90: {  	v2 =	vmul.u32 $0x138800, v2  }
0x91: {  	v1 =	vshll.u32 v1, $0x7  }
0x92: {  	v0 =	vand.u32 $0x7F, v0;
	v1 =	vadd.s32 v1, v2  }
0x93: {  	v0 =	vor.u32 v0, v1  }
0x94: {  	[tilespmem:s23+$0x50] =	vst v0  }
0x95: {  	v0 =	vld [tilespmem:s25+$0x20]  }
0x96: {  	v1 =	vld [tilespmem:s22+$0x20];
	_ =	sdelay $0x3  }
0x97: {  	v2 =	vshrl.u32 v0, $0x8  }
0x98: {  	v2 =	vmul.u32 $0x138800, v2  }
0x99: {  	v1 =	vshll.u32 v1, $0x7  }
0x9a: {  	v0 =	vand.u32 $0x7F, v0;
	v1 =	vadd.s32 v1, v2  }
0x9b: {  	v0 =	vor.u32 v0, v1  }
0x9c: {  	[tilespmem:s23+$0x60] =	vst v0  }
0x9d: {  	v0 =	vld [tilespmem:s25+$0x30]  }
0x9e: {  	v1 =	vld [tilespmem:s22+$0x30];
	_ =	sdelay $0x3  }
0x9f: {  	v2 =	vshrl.u32 v0, $0x8  }
.Ltmp1:
0xa0: {  	v2 =	vmul.u32 $0x138800, v2;
	(pc) =	sbr.rel @p2 .LBB2_2-.Ltmp1, $4  }
0xa1: {  	v1 =	vshll.u32 v1, $0x7  }
0xa2: {  	v0 =	vand.u32 $0x7F, v0;
	v1 =	vadd.s32 v1, v2  }
0xa3: {  	s22 =	sadd.s32 $0x80, s22;
	v0 =	vor.u32 v0, v1  }
0xa4: {  	s24 =	sadd.s32 $0x80, s24;
	s23 =	sadd.s32 $0x80, s23;
	s25 =	sadd.s32 $0x80, s25;
	[tilespmem:s19+$0x70] =	vst v0  }
.LBB2_3:
0xa5: {  	[tilespmem:s21], [sflag:$0x1] =	stream.indirect.gather [hbm4b:s3+s14], $0x1, s19, s14, $0xb8;
	[tilespmem:$0xC600] =	vst v63  }
0xa6: {  	_ =	swait.ge [sflag:s15], $0x2700  }
0xa7: {  	[sflag:s15] =	ssyncset.done $0x0  }
0xa8: {  	s19 =	simm.s32 @!p0 $0x1;
	[sflag:s15] =	ssyncadd.s32 $0xFFFFD900  }
0xa9: {  	_ =	swait.ge @!p0 [sflag:s19], $0x80  }
0xaa: {  	[sflag:s19] =	ssyncset.done @!p0 $0x0  }
0xab: {  	[sflag:s19] =	ssyncadd.s32 @!p0 $0xFFFFFF80  }
0xac: {  	s19 =	simm.s32 $0x7740;
	v0 =	vld [tilespmem:s18+$0xFFFFFFC0]  }
0xad: {  	v1 =	vld [tilespmem:s19+$0xFFFFFFC0];
	_ =	sdelay $0x3  }
0xae: {  	v0 =	vand.u32 $0x80, v0  }
0xaf: {  	vm0 =	veq.s32 v0, $0x0;
	v0 =	vand.u32 $0xFFFF0000, v1;
	v1 =	vshll.u32 v1, $0x10  }
0xb0: {  	s20 =	simm.s32 $0x9EC0;
	v0 =	vsel vm0, v1, v0  }
0xb1: {  	[tilespmem:s20+$0xFFFFFFC0] =	vst v0  }
0xb2: {  	v0 =	vld [tilespmem:s18+$0xFFFFFFD0]  }
0xb3: {  	v1 =	vld [tilespmem:s19+$0xFFFFFFD0];
	_ =	sdelay $0x3  }
0xb4: {  	v0 =	vand.u32 $0x80, v0  }
0xb5: {  	vm9 =	veq.s32 v0, $0x0;
	v0 =	vand.u32 $0xFFFF0000, v1;
	v1 =	vshll.u32 v1, $0x10  }
0xb6: {  	v0 =	vsel vm9, v1, v0  }
0xb7: {  	[tilespmem:s20+$0xFFFFFFD0] =	vst v0  }
0xb8: {  	v0 =	vld [tilespmem:s18+$0xFFFFFFE0]  }
0xb9: {  	v1 =	vld [tilespmem:s19+$0xFFFFFFE0];
	_ =	sdelay $0x3  }
0xba: {  	v0 =	vand.u32 $0x80, v0  }
0xbb: {  	vm10 =	veq.s32 v0, $0x0;
	v0 =	vand.u32 $0xFFFF0000, v1;
	v1 =	vshll.u32 v1, $0x10  }
0xbc: {  	v0 =	vsel vm10, v1, v0  }
0xbd: {  	[tilespmem:s20+$0xFFFFFFE0] =	vst v0  }
0xbe: {  	v0 =	vld [tilespmem:s18+$0xFFFFFFF0]  }
0xbf: {  	v1 =	vld [tilespmem:s19+$0xFFFFFFF0];
	_ =	sdelay $0x3  }
0xc0: {  	v0 =	vand.u32 $0x80, v0  }
0xc1: {  	vm11 =	veq.s32 v0, $0x0;
	v0 =	vand.u32 $0xFFFF0000, v1;
	v1 =	vshll.u32 v1, $0x10  }
0xc2: {  	v0 =	vsel vm11, v1, v0  }
0xc3: {  	[tilespmem:s20+$0xFFFFFFF0] =	vst v0  }
0xc4: {  	v0 =	vld [tilespmem:s18+$0x0]  }
0xc5: {  	v1 =	vld [tilespmem:s19+$0x0];
	_ =	sdelay $0x3  }
0xc6: {  	v0 =	vand.u32 $0x80, v0  }
0xc7: {  	vm12 =	veq.s32 v0, $0x0;
	v0 =	vand.u32 $0xFFFF0000, v1;
	v1 =	vshll.u32 v1, $0x10  }
0xc8: {  	v0 =	vsel vm12, v1, v0  }
0xc9: {  	[tilespmem:s20+$0x0] =	vst v0  }
0xca: {  	v0 =	vld [tilespmem:s18+$0x10]  }
0xcb: {  	v1 =	vld [tilespmem:s19+$0x10];
	_ =	sdelay $0x3  }
0xcc: {  	v0 =	vand.u32 $0x80, v0  }
0xcd: {  	vm13 =	veq.s32 v0, $0x0;
	v0 =	vand.u32 $0xFFFF0000, v1;
	v1 =	vshll.u32 v1, $0x10  }
0xce: {  	v0 =	vsel vm13, v1, v0  }
0xcf: {  	[tilespmem:s20+$0x10] =	vst v0  }
0xd0: {  	v0 =	vld [tilespmem:s18+$0x20]  }
0xd1: {  	v1 =	vld [tilespmem:s19+$0x20];
	_ =	sdelay $0x3  }
0xd2: {  	v0 =	vand.u32 $0x80, v0  }
0xd3: {  	vm14 =	veq.s32 v0, $0x0;
	v0 =	vand.u32 $0xFFFF0000, v1;
	v1 =	vshll.u32 v1, $0x10  }
0xd4: {  	v0 =	vsel vm14, v1, v0  }
0xd5: {  	[tilespmem:s20+$0x20] =	vst v0  }
0xd6: {  	v0 =	vld [tilespmem:s18+$0x30]  }
0xd7: {  	v1 =	vld [tilespmem:s19+$0x30];
	_ =	sdelay $0x1  }
.Ltmp2:
0xd8: {  	_ = 	snop;
	(pc) =	sbr.rel @!p1 .LBB2_5-.Ltmp2, $4  }
0xd9: {  	_ = 	snop  }
0xda: {  	v0 =	vand.u32 $0x80, v0  }
0xdb: {  	vm15 =	veq.s32 v0, $0x0;
	v0 =	vand.u32 $0xFFFF0000, v1;
	v1 =	vshll.u32 v1, $0x10  }
0xdc: {  	s21 =	sadd.s32 $0xFFFFFFFF, s4;
	v0 =	vsel vm15, v1, v0  }
.LBB2_4:
0xdd: {  	[tilespmem:s20+$0x30] =	vst v0;
	s19 =	sadd.s32 $0x80, s19;
	s18 =	sadd.s32 $0x80, s18;
	s20 =	sadd.s32 $0x80, s20  }
0xde: {  	p1 =	sne.s32 s21, $0x1;
	s21 =	sadd.s32 $0xFFFFFFFF, s21;
	v0 =	vld [tilespmem:s18+$0xFFFFFFC0]  }
0xdf: {  	v1 =	vld [tilespmem:s19+$0xFFFFFFC0];
	_ =	sdelay $0x3  }
0xe0: {  	v0 =	vand.u32 $0x80, v0  }
0xe1: {  	vm0 =	veq.s32 v0, $0x0;
	v0 =	vand.u32 $0xFFFF0000, v1;
	v1 =	vshll.u32 v1, $0x10  }
0xe2: {  	v0 =	vsel vm0, v1, v0  }
0xe3: {  	[tilespmem:s20+$0xFFFFFFC0] =	vst v0  }
0xe4: {  	v0 =	vld [tilespmem:s18+$0xFFFFFFD0]  }
0xe5: {  	v1 =	vld [tilespmem:s19+$0xFFFFFFD0];
	_ =	sdelay $0x3  }
0xe6: {  	v0 =	vand.u32 $0x80, v0  }
0xe7: {  	vm0 =	veq.s32 v0, $0x0;
	v0 =	vand.u32 $0xFFFF0000, v1;
	v1 =	vshll.u32 v1, $0x10  }
0xe8: {  	v0 =	vsel vm0, v1, v0  }
0xe9: {  	[tilespmem:s20+$0xFFFFFFD0] =	vst v0  }
0xea: {  	v0 =	vld [tilespmem:s18+$0xFFFFFFE0]  }
0xeb: {  	v1 =	vld [tilespmem:s19+$0xFFFFFFE0];
	_ =	sdelay $0x3  }
0xec: {  	v0 =	vand.u32 $0x80, v0  }
0xed: {  	vm0 =	veq.s32 v0, $0x0;
	v0 =	vand.u32 $0xFFFF0000, v1;
	v1 =	vshll.u32 v1, $0x10  }
0xee: {  	v0 =	vsel vm0, v1, v0  }
0xef: {  	[tilespmem:s20+$0xFFFFFFE0] =	vst v0  }
0xf0: {  	v0 =	vld [tilespmem:s18+$0xFFFFFFF0]  }
0xf1: {  	v1 =	vld [tilespmem:s19+$0xFFFFFFF0];
	_ =	sdelay $0x3  }
0xf2: {  	v0 =	vand.u32 $0x80, v0  }
0xf3: {  	vm0 =	veq.s32 v0, $0x0;
	v0 =	vand.u32 $0xFFFF0000, v1;
	v1 =	vshll.u32 v1, $0x10  }
0xf4: {  	v0 =	vsel vm0, v1, v0  }
0xf5: {  	[tilespmem:s20+$0xFFFFFFF0] =	vst v0  }
0xf6: {  	v0 =	vld [tilespmem:s18+$0x0]  }
0xf7: {  	v1 =	vld [tilespmem:s19+$0x0];
	_ =	sdelay $0x3  }
0xf8: {  	v0 =	vand.u32 $0x80, v0  }
0xf9: {  	vm0 =	veq.s32 v0, $0x0;
	v0 =	vand.u32 $0xFFFF0000, v1;
	v1 =	vshll.u32 v1, $0x10  }
0xfa: {  	v0 =	vsel vm0, v1, v0  }
0xfb: {  	[tilespmem:s20+$0x0] =	vst v0  }
0xfc: {  	v0 =	vld [tilespmem:s18+$0x10]  }
0xfd: {  	v1 =	vld [tilespmem:s19+$0x10];
	_ =	sdelay $0x3  }
0xfe: {  	v0 =	vand.u32 $0x80, v0  }
0xff: {  	vm0 =	veq.s32 v0, $0x0;
	v0 =	vand.u32 $0xFFFF0000, v1;
	v1 =	vshll.u32 v1, $0x10  }
0x100: {  	v0 =	vsel vm0, v1, v0  }
0x101: {  	[tilespmem:s20+$0x10] =	vst v0  }
0x102: {  	v0 =	vld [tilespmem:s18+$0x20]  }
0x103: {  	v1 =	vld [tilespmem:s19+$0x20];
	_ =	sdelay $0x3  }
0x104: {  	v0 =	vand.u32 $0x80, v0  }
0x105: {  	vm0 =	veq.s32 v0, $0x0;
	v0 =	vand.u32 $0xFFFF0000, v1;
	v1 =	vshll.u32 v1, $0x10  }
0x106: {  	v0 =	vsel vm0, v1, v0  }
0x107: {  	[tilespmem:s20+$0x20] =	vst v0  }
0x108: {  	v0 =	vld [tilespmem:s18+$0x30]  }
0x109: {  	v1 =	vld [tilespmem:s19+$0x30];
	_ =	sdelay $0x1  }
.Ltmp3:
0x10a: {  	(pc) =	sbr.rel @p1 .LBB2_4-.Ltmp3, $4  }
0x10b: {  	_ = 	snop  }
0x10c: {  	v0 =	vand.u32 $0x80, v0  }
0x10d: {  	vm0 =	veq.s32 v0, $0x0;
	v0 =	vand.u32 $0xFFFF0000, v1;
	v1 =	vshll.u32 v1, $0x10  }
0x10e: {  	v0 =	vsel vm0, v1, v0  }
.LBB2_5:
0x10f: {  	[tilespmem:s20+$0x30] =	vst v0  }
0x110: {  	[hbm4b:s9+s2] =	stream.linear.scatter [tilespmem:s16], [sflag:$0x2], $0x2700, $0x38;
	[tilespmem:$0xC600] =	vst v63  }
0x111: {  	_ =	swait.ge [sflag:s12], $0x2700  }
0x112: {  	s18 =	simm.s32 @!p0 $0x0;
	s17 =	sadd.s32 $0x1, s17;
	[sflag:s12] =	ssyncset.done $0x0  }
0x113: {  	s19 =	simm.s32 @!p0 $0xC580;
	p1 =	sne.s32 s17, s11;
	[sflag:s12] =	ssyncadd.s32 $0xFFFFD900  }
0x114: {  	[hbm4b:s10+s18] =	stream.linear.scatter @!p0 [tilespmem:s19], [sflag:$0x2], $0x80, $0x38;
	[tilespmem:$0xC600] =	vst v63  }
.Ltmp4:
0x115: {  	_ = 	snop;
	(pc) =	sbr.rel @p1 .LBB2_1-.Ltmp4, $4  }
0x116: {  	s18 =	simm.s32 @!p0 $0x2  }
0x117: {  	_ =	swait.ge @!p0 [sflag:s18], $0x80  }
0x118: {  	[sflag:s18] =	ssyncset.done @!p0 $0x0  }
0x119: {  	[sflag:s18] =	ssyncadd.s32 @!p0 $0xFFFFFF80  }
0x11a: {  	_ =	sfence.sel $0x180000  }
0x11b: {  	[bflag:$0x0] =	sbarrier.arrive $0xFFFF  }
0x11c: {  	p0 =	sne.s32 s1, $0x0;
	_ =	strace $0x90000047  }
0x11d: {  	s0 =	sadd.s32 @!p0 $0x100000, s0;
	[bflag:$0x2] =	sbarrier.arrive $0xFFFF  }
0x11e: {  	[sflag:s0] =	ssyncadd.tile.s32 @!p0 $0x1;
	_ =	shalt  }
.Lfunc_end2:
_tile_overlayer_lowered:
.L_overlay_start_2:
0x11f: {  	(tag) =	ssettag $0x2  }
0x120: {  	s0 =	rddreg [dreg:$0x0];
	s2 =	stileid.u32  }
0x121: {  	s1 =	rddreg [dreg:$0x1];
	p0 =	sne.s32 s2, $0x0  }
0x122: {  	s3 =	rddreg [dreg:$0x2];
	[bflag:$0x3] =	sbarrier.arrive $0xFFFF;
	s2 =	simm.s32 @!p0 $0x1C02  }
0x123: {  	[timem:s3], [sflag:s2] =	dma.local @!p0 [hbm:s0], s1  }
0x124: {  	s0 =	simm.s32 @!p0 $0x2  }
0x125: {  	_ =	swait.ge @!p0 [sflag:s0], s1  }
0x126: {  	s1 =	ssub.s32 @!p0 $0x0, s1;
	[sflag:s0] =	ssyncset.done @!p0 $0x0  }
0x127: {  	[sflag:s0] =	ssyncadd.s32 @!p0 s1  }
0x128: {  	[bflag:$0x3] =	sbarrier.arrive $0xFFFF  }
0x129: {  	_ =	shalt  }

</sc_bundles>
